<compile_context>
chip_gen: v7x
topology: tpu7x:2x2x1
jax: 0.10.2.dev20260603
libtpu: 0.0.44.dev20260713+nightly
codegen_flags: <defaults>
</compile_context>

<pallas_src>
import functools

import numpy as np
import jax
import jax.numpy as jnp
from jax import lax
from jax.experimental import pallas as pl
from jax.experimental.pallas import tpu as pltpu
from jax.experimental.pallas import tpu_sc as plsc

T = 2048
D = 768
F = 1280
E = 8
K = 2
A = T * K
MG = 512
RBUF = A + E * MG
NT = RBUF // MG
NW = 32
CHUNK = A // NW
MF = 512

_P, _Q = 32, 128
_C = _P * E
_cc = np.arange(_C)
_REP = (np.arange(_P)[:, None] == (_cc // E)[None, :]).astype(np.float32)
_EIDX = (_cc % E).astype(np.float32)[None, :]
_R256 = (((_cc % E)[:, None] == (_cc % E)[None, :])
         & ((_cc // E)[:, None] < (_cc // E)[None, :])).astype(np.float32)
_RSUM = ((_cc % E)[:, None] == np.arange(E)[None, :]).astype(np.float32)
_L128 = (np.arange(_Q)[None, :] < np.arange(_Q)[:, None]).astype(np.float32)
_L8 = (np.arange(E)[:, None] < np.arange(E)[None, :]).astype(np.float32)
_TILE8 = (np.arange(E)[:, None] == (_cc % E)[None, :]).astype(np.float32)
_REPT = ((_cc // E)[:, None] == np.arange(_P)[None, :]).astype(np.float32)

_GSTART = (np.arange(NT) * MG).astype(np.float32)[:, None]


def _route_index_body(x_ref, rw_ref, rep_ref, eidx_ref, r_ref, rsum_ref,
                      l128_ref, l8_ref, tile8_ref, rept_ref, gs_ref,
                      pos_ref, ex_ref, val_ref, w1_ref, w2_ref):
    x = x_ref[...]
    logits = jnp.dot(x, rw_ref[...], preferred_element_type=jnp.float32)
    aff = jax.nn.sigmoid(logits)
    ii = jax.lax.broadcasted_iota(jnp.int32, aff.shape, 1)
    m1 = jnp.max(aff, axis=1, keepdims=True)
    e1 = jnp.min(jnp.where(aff == m1, ii, E), axis=1, keepdims=True)
    aff2 = jnp.where(ii == e1, -1.0, aff)
    m2 = jnp.max(aff2, axis=1, keepdims=True)
    e2 = jnp.min(jnp.where(aff2 == m2, ii, E), axis=1, keepdims=True)
    denom = m1 + m2
    w1_ref[...] = m1 / denom
    w2_ref[...] = m2 / denom

    hi = jax.lax.Precision.HIGHEST
    dot = functools.partial(jnp.dot, precision=hi,
                            preferred_element_type=jnp.float32)
    ef = jnp.concatenate(
        [jnp.reshape(e1, (_Q // 2, _P)), jnp.reshape(e2, (_Q // 2, _P))],
        axis=0).astype(jnp.float32)
    eexp = dot(ef, rep_ref[...])
    z = (eexp == eidx_ref[...]).astype(jnp.float32)
    intra = dot(z, r_ref[...])
    rowcnt = dot(z, rsum_ref[...])
    rowoff = dot(l128_ref[...], rowcnt)
    counts = jnp.sum(rowcnt, axis=0, keepdims=True)
    pc = jnp.floor((counts + (MG - 1)) * (1.0 / MG)) * MG
    pad_off = dot(pc, l8_ref[...])
    off_exp = dot(rowoff + pad_off, tile8_ref[...])
    pos_sel = dot(z * (intra + off_exp), rept_ref[...])
    pos_ref[...] = pos_sel.astype(jnp.int32)

    pad_end = pad_off + pc
    gs = gs_ref[...]
    ex = jnp.sum((gs >= pad_end).astype(jnp.float32), axis=1, keepdims=True)
    ex_ref[...] = jnp.clip(ex, 0.0, float(E - 1)).astype(jnp.int32)
    val_ref[...] = (gs < pad_end[:, E - 1:E]).astype(jnp.int32)


@functools.lru_cache(maxsize=1)
def _sc_kernels():
    mesh = plsc.VectorSubcoreMesh(core_axis_name="c", subcore_axis_name="s")

    H = CHUNK // 2

    @functools.partial(
        pl.kernel,
        out_type=jax.ShapeDtypeStruct((RBUF, D), jnp.float32),
        mesh=mesh,
        scratch_types=[
            pltpu.VMEM((2, H), jnp.int32),
            pltpu.VMEM((2, H, D), jnp.float32),
            pltpu.SemaphoreType.DMA,
            pltpu.SemaphoreType.DMA,
            pltpu.SemaphoreType.DMA,
        ],
    )
    def _dispatch(pos_hbm, x_hbm, xs_hbm, pos_v, rows_v, psem, gsem, ssem):
        wid = lax.axis_index("s") * 2 + lax.axis_index("c")
        base = wid * CHUNK
        tbase = lax.rem(base, T)
        cp0 = pltpu.async_copy(pos_hbm.at[pl.ds(base, H)], pos_v.at[0], psem)
        cp1 = pltpu.async_copy(pos_hbm.at[pl.ds(base + H, H)], pos_v.at[1],
                               psem)
        g0 = pltpu.async_copy(x_hbm.at[pl.ds(tbase, H)], rows_v.at[0], gsem)
        g1 = pltpu.async_copy(x_hbm.at[pl.ds(tbase + H, H)], rows_v.at[1],
                              gsem)
        cp0.wait()
        g0.wait()
        s0 = pltpu.async_copy(rows_v.at[0], xs_hbm.at[pos_v.at[0]], ssem)
        cp1.wait()
        g1.wait()
        s1 = pltpu.async_copy(rows_v.at[1], xs_hbm.at[pos_v.at[1]], ssem)
        s0.wait()
        s1.wait()

    @functools.partial(
        pl.kernel,
        out_type=jax.ShapeDtypeStruct((A, D), jnp.float32),
        mesh=mesh,
        scratch_types=[
            pltpu.VMEM((2, H), jnp.int32),
            pltpu.VMEM((2, H, D), jnp.float32),
            pltpu.SemaphoreType.DMA,
            pltpu.SemaphoreType.DMA,
            pltpu.SemaphoreType.DMA,
        ],
    )
    def _collect(pos_hbm, y_hbm, yall_hbm, pos_v, rows_v, psem, gsem, ssem):
        wid = lax.axis_index("s") * 2 + lax.axis_index("c")
        base = wid * CHUNK
        cp0 = pltpu.async_copy(pos_hbm.at[pl.ds(base, H)], pos_v.at[0], psem)
        cp1 = pltpu.async_copy(pos_hbm.at[pl.ds(base + H, H)], pos_v.at[1],
                               psem)
        cp0.wait()
        g0 = pltpu.async_copy(y_hbm.at[pos_v.at[0]], rows_v.at[0], gsem)
        cp1.wait()
        g1 = pltpu.async_copy(y_hbm.at[pos_v.at[1]], rows_v.at[1], gsem)
        g0.wait()
        s0 = pltpu.async_copy(rows_v.at[0],
                              yall_hbm.at[pl.ds(base, H)], ssem)
        g1.wait()
        s1 = pltpu.async_copy(rows_v.at[1],
                              yall_hbm.at[pl.ds(base + H, H)], ssem)
        s0.wait()
        s1.wait()

    return _dispatch, _collect


def _grouped_body(ex_ref, val_ref, xs_ref, wg_ref, wu_ref, wd_ref, y_ref):
    s = pl.program_id(0)

    @pl.when(val_ref[s, 0] == 1)
    def _expert():
        x = xs_ref[...]
        g = jax.nn.silu(jnp.dot(x, wg_ref[0],
                                preferred_element_type=jnp.float32))
        u = jnp.dot(x, wu_ref[0], preferred_element_type=jnp.float32)
        y_ref[...] = jnp.dot(g * u, wd_ref[0],
                             preferred_element_type=jnp.float32)


def _shared_body(x_ref, wsg_ref, wsu_ref, wsd_ref, out_ref):
    x = x_ref[...]
    g = jax.nn.silu(jnp.dot(x, wsg_ref[...],
                            preferred_element_type=jnp.float32))
    u = jnp.dot(x, wsu_ref[...], preferred_element_type=jnp.float32)
    out_ref[...] = jnp.dot(g * u, wsd_ref[...],
                           preferred_element_type=jnp.float32)


def _final_body(sh_ref, y0_ref, y1_ref, w1_ref, w2_ref, out_ref):
    out_ref[...] = (sh_ref[...] + w1_ref[...] * y0_ref[...]
                    + w2_ref[...] * y1_ref[...])


@jax.jit
def kernel(x, router_w, W_gate, W_up, W_down, Ws_gate, Ws_up, Ws_down):
    full = lambda s: pl.BlockSpec(s, lambda i: tuple(0 for _ in s))
    pos_qp, ex_tile, val_tile, w1, w2 = pl.pallas_call(
        _route_index_body,
        grid=(1,),
        in_specs=[full((T, D)), full((D, E)), full((_P, _C)), full((1, _C)),
                  full((_C, _C)), full((_C, E)), full((_Q, _Q)),
                  full((E, E)), full((E, _C)), full((_C, _P)),
                  full((NT, 1))],
        out_specs=[full((_Q, _P)), full((NT, 1)), full((NT, 1)),
                   full((T, 1)), full((T, 1))],
        out_shape=[
            jax.ShapeDtypeStruct((_Q, _P), jnp.int32),
            jax.ShapeDtypeStruct((NT, 1), jnp.int32),
            jax.ShapeDtypeStruct((NT, 1), jnp.int32),
            jax.ShapeDtypeStruct((T, 1), jnp.float32),
            jax.ShapeDtypeStruct((T, 1), jnp.float32),
        ],
    )(x, router_w, _REP, _EIDX, _R256, _RSUM, _L128, _L8, _TILE8, _REPT,
      _GSTART)
    pos_flat = pos_qp.reshape(A)

    sh = pl.pallas_call(
        _shared_body,
        grid=(T // MF,),
        in_specs=[
            pl.BlockSpec((MF, D), lambda i: (i, 0)),
            pl.BlockSpec((D, F), lambda i: (0, 0)),
            pl.BlockSpec((D, F), lambda i: (0, 0)),
            pl.BlockSpec((F, D), lambda i: (0, 0)),
        ],
        out_specs=pl.BlockSpec((MF, D), lambda i: (i, 0)),
        out_shape=jax.ShapeDtypeStruct((T, D), jnp.float32),
        compiler_params=pltpu.CompilerParams(
            dimension_semantics=("parallel",),
        ),
    )(x, Ws_gate, Ws_up, Ws_down)

    _dispatch, _collect = _sc_kernels()
    xs = _dispatch(pos_flat, x)

    y = pl.pallas_call(
        _grouped_body,
        grid_spec=pltpu.PrefetchScalarGridSpec(
            num_scalar_prefetch=2,
            grid=(NT,),
            in_specs=[
                pl.BlockSpec((MG, D), lambda i, ex, vl: (i, 0)),
                pl.BlockSpec((1, D, F), lambda i, ex, vl: (ex[i, 0], 0, 0)),
                pl.BlockSpec((1, D, F), lambda i, ex, vl: (ex[i, 0], 0, 0)),
                pl.BlockSpec((1, F, D), lambda i, ex, vl: (ex[i, 0], 0, 0)),
            ],
            out_specs=pl.BlockSpec((MG, D), lambda i, ex, vl: (i, 0)),
        ),
        out_shape=jax.ShapeDtypeStruct((RBUF, D), jnp.float32),
        compiler_params=pltpu.CompilerParams(
            dimension_semantics=("arbitrary",),
        ),
    )(ex_tile, val_tile, xs, W_gate, W_up, W_down)

    yall = _collect(pos_flat, y)

    nf = T // MF
    out = pl.pallas_call(
        _final_body,
        grid=(nf,),
        in_specs=[
            pl.BlockSpec((MF, D), lambda i: (i, 0)),
            pl.BlockSpec((MF, D), lambda i: (i, 0)),
            pl.BlockSpec((MF, D), lambda i: (i + nf, 0)),
            pl.BlockSpec((MF, 1), lambda i: (i, 0)),
            pl.BlockSpec((MF, 1), lambda i: (i, 0)),
        ],
        out_specs=pl.BlockSpec((MF, D), lambda i: (i, 0)),
        out_shape=jax.ShapeDtypeStruct((T, D), jnp.float32),
        compiler_params=pltpu.CompilerParams(
            dimension_semantics=("parallel",),
        ),
    )(sh, yall, yall, w1, w2)
    return out

# --- scband reference (transcript-rebuilt; emitter-appended) ---
"""Pipeline reference for scband-neuron-solar-open-decoder-layer-62843961475295 (READ-ONLY COPY).

The authoritative reference and input builder live on the scoring server;
editing this copy changes nothing except your own understanding.
"""

import jax, jax.numpy as jnp
import numpy as np

T = 2048
D_MODEL = 768
D_FF = 1280
E = 8
TOP_K = 2


def setup_inputs(seed: int = 0) -> dict:
    key = jax.random.key(seed)
    ks = jax.random.split(key, 8)
    x = jax.random.normal(ks[0], (T, D_MODEL), dtype=jnp.float32)
    router_w = jax.random.normal(ks[1], (D_MODEL, E), dtype=jnp.float32) * 0.02
    W_gate = jax.random.normal(ks[2], (E, D_MODEL, D_FF), dtype=jnp.float32) * 0.02
    W_up = jax.random.normal(ks[3], (E, D_MODEL, D_FF), dtype=jnp.float32) * 0.02
    W_down = jax.random.normal(ks[4], (E, D_FF, D_MODEL), dtype=jnp.float32) * 0.02
    Ws_gate = jax.random.normal(ks[5], (D_MODEL, D_FF), dtype=jnp.float32) * 0.02
    Ws_up = jax.random.normal(ks[6], (D_MODEL, D_FF), dtype=jnp.float32) * 0.02
    Ws_down = jax.random.normal(ks[7], (D_FF, D_MODEL), dtype=jnp.float32) * 0.02
    return {"x": x, "router_w": router_w, "W_gate": W_gate, "W_up": W_up,
            "W_down": W_down, "Ws_gate": Ws_gate, "Ws_up": Ws_up, "Ws_down": Ws_down}


def reference(x, router_w, W_gate, W_up, W_down, Ws_gate, Ws_up, Ws_down):
    # Router: sigmoid affinities (SolarOpen config: router act_fn = 'sigmoid'),
    # top-k selection, normalize_top_k_affinities=True.
    logits = x @ router_w  # [T, E]
    aff = jax.nn.sigmoid(logits.astype(jnp.float32))
    top_vals, top_idx = jax.lax.top_k(aff, TOP_K)  # [T, K]
    top_vals = top_vals / jnp.sum(top_vals, axis=-1, keepdims=True)
    # Combine weights scattered back to dense [T, E]
    comb = jnp.sum(jax.nn.one_hot(top_idx, E, dtype=x.dtype) * top_vals[..., None], axis=1)  # [T, E]
    # Routed experts: GLU MLP with silu (glu_mlp=True, glu_type='glu', hidden_act='silu')
    out = jnp.zeros_like(x)
    for e in range(E):
        g = jax.nn.silu(x @ W_gate[e])
        u = x @ W_up[e]
        y_e = (g * u) @ W_down[e]
        out = out + comb[:, e:e + 1] * y_e
    # Shared expert (n_shared_experts=1), applied to every token unconditionally
    sh = (jax.nn.silu(x @ Ws_gate) * (x @ Ws_up)) @ Ws_down
    return out + sh

if __name__ == "__main__":
    import jax
    _d = setup_inputs()
    print(jax.jit(kernel)(*tuple(_d.values())))

</pallas_src>

<mosaic_0001>
#map = affine_map<(d0, d1) -> (0)>
#map1 = affine_map<(d0, d1) -> (0, 0)>
module attributes {stable_mosaic.version = 14 : i64} {
  func.func @_collect(%arg0: i32, %arg1: i32, %arg2: memref<4096xi32, #tpu.memory_space<hbm>>, %arg3: memref<8192x768xf32, #tpu.memory_space<hbm>>, %arg4: memref<4096x768xf32, #tpu.memory_space<hbm>>, %arg5: memref<2x64xi32, #tpu.memory_space<vmem>>, %arg6: memref<2x64x768xf32, #tpu.memory_space<vmem>>, %arg7: memref<!tpu.dma_semaphore, #tpu.memory_space<semaphore_mem>>, %arg8: memref<!tpu.dma_semaphore, #tpu.memory_space<semaphore_mem>>, %arg9: memref<!tpu.dma_semaphore, #tpu.memory_space<semaphore_mem>>) attributes {dimension_semantics = [#tpu.dimension_semantics<core_parallel>, #tpu.dimension_semantics<subcore_parallel>], iteration_bounds = array<i64: 2, 16>, scalar_prefetch = 0 : i64, scratch_operands = 5 : i64, tpu.core_type = #tpu.core_type<sc_vector_subcore>, window_params = [{transform_indices = #map}, {transform_indices = #map1}, {transform_indices = #map1}]} {
    %mul3A = arith.constant 2 : i32
    %mul3A_0 = arith.muli %arg1, %mul3A : i32
    %add3A = arith.addi %mul3A_0, %arg0 : i32
    %mul3A_1 = arith.constant 128 : i32
    %mul3A_2 = arith.muli %add3A, %mul3A_1 : i32
    %dma_start3A = arith.constant 0 : i32
    %dma_start3A_3 = arith.constant 0 : i32
    %dma_start3A_4 = tpu.memref_slice %arg5[%dma_start3A, %dma_start3A_3] : memref<2x64xi32, #tpu.memory_space<vmem>> -> memref<1x64xi32, #tpu.memory_space<vmem>>
    %dma_start3A_5 = tpu.memref_squeeze %dma_start3A_4 : memref<1x64xi32, #tpu.memory_space<vmem>> -> memref<64xi32, #tpu.memory_space<vmem>>
    %dma_start3A_6 = tpu.memref_slice %arg2[%mul3A_2] : memref<4096xi32, #tpu.memory_space<hbm>> -> memref<64xi32, #tpu.memory_space<hbm>>
    %dma_start3A_7 = arith.constant 0 : i32
    %dma_start3A_8 = tpu.memref_slice %arg5[%dma_start3A, %dma_start3A_7] : memref<2x64xi32, #tpu.memory_space<vmem>> -> memref<1x64xi32, #tpu.memory_space<vmem>>
    %dma_start3A_9 = tpu.memref_squeeze %dma_start3A_8 : memref<1x64xi32, #tpu.memory_space<vmem>> -> memref<64xi32, #tpu.memory_space<vmem>>
    %dma_start3A_10 = tpu.memref_slice %arg2[%mul3A_2] : memref<4096xi32, #tpu.memory_space<hbm>> -> memref<64xi32, #tpu.memory_space<hbm>>
    tpu.enqueue_dma source(%dma_start3A_10 : memref<64xi32, #tpu.memory_space<hbm>>) target(%dma_start3A_9 : memref<64xi32, #tpu.memory_space<vmem>>) target_semaphore(%arg7 : memref<!tpu.dma_semaphore, #tpu.memory_space<semaphore_mem>>)
    %add3A_11 = arith.constant 64 : i32
    %add3A_12 = arith.addi %mul3A_2, %add3A_11 : i32
    %dma_start3A_13 = arith.constant 1 : i32
    %dma_start3A_14 = arith.constant 0 : i32
    %dma_start3A_15 = tpu.memref_slice %arg5[%dma_start3A_13, %dma_start3A_14] : memref<2x64xi32, #tpu.memory_space<vmem>> -> memref<1x64xi32, #tpu.memory_space<vmem>>
    %dma_start3A_16 = tpu.memref_squeeze %dma_start3A_15 : memref<1x64xi32, #tpu.memory_space<vmem>> -> memref<64xi32, #tpu.memory_space<vmem>>
    %dma_start3A_17 = tpu.memref_slice %arg2[%add3A_12] : memref<4096xi32, #tpu.memory_space<hbm>> -> memref<64xi32, #tpu.memory_space<hbm>>
    %dma_start3A_18 = arith.constant 0 : i32
    %dma_start3A_19 = tpu.memref_slice %arg5[%dma_start3A_13, %dma_start3A_18] : memref<2x64xi32, #tpu.memory_space<vmem>> -> memref<1x64xi32, #tpu.memory_space<vmem>>
    %dma_start3A_20 = tpu.memref_squeeze %dma_start3A_19 : memref<1x64xi32, #tpu.memory_space<vmem>> -> memref<64xi32, #tpu.memory_space<vmem>>
    %dma_start3A_21 = tpu.memref_slice %arg2[%add3A_12] : memref<4096xi32, #tpu.memory_space<hbm>> -> memref<64xi32, #tpu.memory_space<hbm>>
    tpu.enqueue_dma source(%dma_start3A_21 : memref<64xi32, #tpu.memory_space<hbm>>) target(%dma_start3A_20 : memref<64xi32, #tpu.memory_space<vmem>>) target_semaphore(%arg7 : memref<!tpu.dma_semaphore, #tpu.memory_space<semaphore_mem>>)
    %dma_wait3A = arith.constant 0 : i32
    %dma_wait3A_22 = arith.constant 0 : i32
    %dma_wait3A_23 = tpu.memref_slice %arg5[%dma_wait3A, %dma_wait3A_22] : memref<2x64xi32, #tpu.memory_space<vmem>> -> memref<1x64xi32, #tpu.memory_space<vmem>>
    %dma_wait3A_24 = tpu.memref_squeeze %dma_wait3A_23 : memref<1x64xi32, #tpu.memory_space<vmem>> -> memref<64xi32, #tpu.memory_space<vmem>>
    %dma_wait3A_25 = tpu.memref_slice %arg2[%mul3A_2] : memref<4096xi32, #tpu.memory_space<hbm>> -> memref<64xi32, #tpu.memory_space<hbm>>
    %dma_wait3A_26 = arith.constant 0 : i32
    %dma_wait3A_27 = tpu.memref_slice %arg5[%dma_wait3A, %dma_wait3A_26] : memref<2x64xi32, #tpu.memory_space<vmem>> -> memref<1x64xi32, #tpu.memory_space<vmem>>
    %dma_wait3A_28 = tpu.memref_squeeze %dma_wait3A_27 : memref<1x64xi32, #tpu.memory_space<vmem>> -> memref<64xi32, #tpu.memory_space<vmem>>
    %dma_wait3A_29 = tpu.memref_slice %arg2[%mul3A_2] : memref<4096xi32, #tpu.memory_space<hbm>> -> memref<64xi32, #tpu.memory_space<hbm>>
    tpu.wait_dma2 semaphore(%arg7 : memref<!tpu.dma_semaphore, #tpu.memory_space<semaphore_mem>>) src(%dma_wait3A_29 : memref<64xi32, #tpu.memory_space<hbm>>) dst(%dma_wait3A_28 : memref<64xi32, #tpu.memory_space<vmem>>)
    %dma_start3A_30 = arith.constant 0 : i32
    %dma_start3A_31 = arith.constant 0 : i32
    %dma_start3A_32 = arith.constant 0 : i32
    %dma_start3A_33 = arith.constant 0 : i32
    %dma_start3A_34 = tpu.memref_slice %arg6[%dma_start3A_31, %dma_start3A_32, %dma_start3A_33] : memref<2x64x768xf32, #tpu.memory_space<vmem>> -> memref<1x64x768xf32, #tpu.memory_space<vmem>>
    %dma_start3A_35 = tpu.memref_squeeze %dma_start3A_34 : memref<1x64x768xf32, #tpu.memory_space<vmem>> -> memref<64x768xf32, #tpu.memory_space<vmem>>
    %dma_start3A_36 = arith.constant 0 : i32
    %dma_start3A_37 = tpu.memref_slice %arg5[%dma_start3A_30, %dma_start3A_36] : memref<2x64xi32, #tpu.memory_space<vmem>> -> memref<1x64xi32, #tpu.memory_space<vmem>>
    %dma_start3A_38 = tpu.memref_squeeze %dma_start3A_37 : memref<1x64xi32, #tpu.memory_space<vmem>> -> memref<64xi32, #tpu.memory_space<vmem>>
    %dma_start3A_39 = arith.constant 0 : i32
    %dma_start3A_40 = arith.constant 0 : i32
    %dma_start3A_41 = tpu.memref_slice %arg3[%dma_start3A_39, %dma_start3A_40] : memref<8192x768xf32, #tpu.memory_space<hbm>> -> memref<8192x768xf32, #tpu.memory_space<hbm>>
    tpu.enqueue_indirect_dma source(%dma_start3A_41 : memref<8192x768xf32, #tpu.memory_space<hbm>>) target(%dma_start3A_35 : memref<64x768xf32, #tpu.memory_space<vmem>>) offsets(%dma_start3A_38 : memref<64xi32, #tpu.memory_space<vmem>>) semaphore(%arg8 : memref<!tpu.dma_semaphore, #tpu.memory_space<semaphore_mem>>)
    %dma_wait3A_42 = arith.constant 1 : i32
    %dma_wait3A_43 = arith.constant 0 : i32
    %dma_wait3A_44 = tpu.memref_slice %arg5[%dma_wait3A_42, %dma_wait3A_43] : memref<2x64xi32, #tpu.memory_space<vmem>> -> memref<1x64xi32, #tpu.memory_space<vmem>>
    %dma_wait3A_45 = tpu.memref_squeeze %dma_wait3A_44 : memref<1x64xi32, #tpu.memory_space<vmem>> -> memref<64xi32, #tpu.memory_space<vmem>>
    %dma_wait3A_46 = tpu.memref_slice %arg2[%add3A_12] : memref<4096xi32, #tpu.memory_space<hbm>> -> memref<64xi32, #tpu.memory_space<hbm>>
    %dma_wait3A_47 = arith.constant 0 : i32
    %dma_wait3A_48 = tpu.memref_slice %arg5[%dma_wait3A_42, %dma_wait3A_47] : memref<2x64xi32, #tpu.memory_space<vmem>> -> memref<1x64xi32, #tpu.memory_space<vmem>>
    %dma_wait3A_49 = tpu.memref_squeeze %dma_wait3A_48 : memref<1x64xi32, #tpu.memory_space<vmem>> -> memref<64xi32, #tpu.memory_space<vmem>>
    %dma_wait3A_50 = tpu.memref_slice %arg2[%add3A_12] : memref<4096xi32, #tpu.memory_space<hbm>> -> memref<64xi32, #tpu.memory_space<hbm>>
    tpu.wait_dma2 semaphore(%arg7 : memref<!tpu.dma_semaphore, #tpu.memory_space<semaphore_mem>>) src(%dma_wait3A_50 : memref<64xi32, #tpu.memory_space<hbm>>) dst(%dma_wait3A_49 : memref<64xi32, #tpu.memory_space<vmem>>)
    %dma_start3A_51 = arith.constant 1 : i32
    %dma_start3A_52 = arith.constant 1 : i32
    %dma_start3A_53 = arith.constant 0 : i32
    %dma_start3A_54 = arith.constant 0 : i32
    %dma_start3A_55 = tpu.memref_slice %arg6[%dma_start3A_52, %dma_start3A_53, %dma_start3A_54] : memref<2x64x768xf32, #tpu.memory_space<vmem>> -> memref<1x64x768xf32, #tpu.memory_space<vmem>>
    %dma_start3A_56 = tpu.memref_squeeze %dma_start3A_55 : memref<1x64x768xf32, #tpu.memory_space<vmem>> -> memref<64x768xf32, #tpu.memory_space<vmem>>
    %dma_start3A_57 = arith.constant 0 : i32
    %dma_start3A_58 = tpu.memref_slice %arg5[%dma_start3A_51, %dma_start3A_57] : memref<2x64xi32, #tpu.memory_space<vmem>> -> memref<1x64xi32, #tpu.memory_space<vmem>>
    %dma_start3A_59 = tpu.memref_squeeze %dma_start3A_58 : memref<1x64xi32, #tpu.memory_space<vmem>> -> memref<64xi32, #tpu.memory_space<vmem>>
    %dma_start3A_60 = arith.constant 0 : i32
    %dma_start3A_61 = arith.constant 0 : i32
    %dma_start3A_62 = tpu.memref_slice %arg3[%dma_start3A_60, %dma_start3A_61] : memref<8192x768xf32, #tpu.memory_space<hbm>> -> memref<8192x768xf32, #tpu.memory_space<hbm>>
    tpu.enqueue_indirect_dma source(%dma_start3A_62 : memref<8192x768xf32, #tpu.memory_space<hbm>>) target(%dma_start3A_56 : memref<64x768xf32, #tpu.memory_space<vmem>>) offsets(%dma_start3A_59 : memref<64xi32, #tpu.memory_space<vmem>>) semaphore(%arg8 : memref<!tpu.dma_semaphore, #tpu.memory_space<semaphore_mem>>)
    %dma_wait3A_63 = arith.constant 0 : i32
    %dma_wait3A_64 = arith.constant 0 : i32
    %dma_wait3A_65 = arith.constant 0 : i32
    %dma_wait3A_66 = arith.constant 0 : i32
    %dma_wait3A_67 = tpu.memref_slice %arg6[%dma_wait3A_64, %dma_wait3A_65, %dma_wait3A_66] : memref<2x64x768xf32, #tpu.memory_space<vmem>> -> memref<1x64x768xf32, #tpu.memory_space<vmem>>
    %dma_wait3A_68 = tpu.memref_squeeze %dma_wait3A_67 : memref<1x64x768xf32, #tpu.memory_space<vmem>> -> memref<64x768xf32, #tpu.memory_space<vmem>>
    %dma_wait3A_69 = arith.constant 0 : i32
    %dma_wait3A_70 = tpu.memref_slice %arg5[%dma_wait3A_63, %dma_wait3A_69] : memref<2x64xi32, #tpu.memory_space<vmem>> -> memref<1x64xi32, #tpu.memory_space<vmem>>
    %dma_wait3A_71 = tpu.memref_squeeze %dma_wait3A_70 : memref<1x64xi32, #tpu.memory_space<vmem>> -> memref<64xi32, #tpu.memory_space<vmem>>
    %dma_wait3A_72 = arith.constant 0 : i32
    %dma_wait3A_73 = arith.constant 0 : i32
    %dma_wait3A_74 = tpu.memref_slice %arg3[%dma_wait3A_72, %dma_wait3A_73] : memref<8192x768xf32, #tpu.memory_space<hbm>> -> memref<8192x768xf32, #tpu.memory_space<hbm>>
    tpu.wait_indirect_dma semaphore(%arg8 : memref<!tpu.dma_semaphore, #tpu.memory_space<semaphore_mem>>) src(%dma_wait3A_74 : memref<8192x768xf32, #tpu.memory_space<hbm>>) dst(%dma_wait3A_68 : memref<64x768xf32, #tpu.memory_space<vmem>>)
    %dma_start3A_75 = arith.constant 0 : i32
    %dma_start3A_76 = arith.constant 0 : i32
    %dma_start3A_77 = arith.constant 0 : i32
    %dma_start3A_78 = tpu.memref_slice %arg6[%dma_start3A_75, %dma_start3A_76, %dma_start3A_77] : memref<2x64x768xf32, #tpu.memory_space<vmem>> -> memref<1x64x768xf32, #tpu.memory_space<vmem>>
    %dma_start3A_79 = tpu.memref_squeeze %dma_start3A_78 : memref<1x64x768xf32, #tpu.memory_space<vmem>> -> memref<64x768xf32, #tpu.memory_space<vmem>>
    %dma_start3A_80 = arith.constant 0 : i32
    %dma_start3A_81 = tpu.memref_slice %arg4[%mul3A_2, %dma_start3A_80] : memref<4096x768xf32, #tpu.memory_space<hbm>> -> memref<64x768xf32, #tpu.memory_space<hbm>>
    %dma_start3A_82 = arith.constant 0 : i32
    %dma_start3A_83 = tpu.memref_slice %arg4[%mul3A_2, %dma_start3A_82] : memref<4096x768xf32, #tpu.memory_space<hbm>> -> memref<64x768xf32, #tpu.memory_space<hbm>>
    %dma_start3A_84 = arith.constant 0 : i32
    %dma_start3A_85 = arith.constant 0 : i32
    %dma_start3A_86 = tpu.memref_slice %arg6[%dma_start3A_75, %dma_start3A_84, %dma_start3A_85] : memref<2x64x768xf32, #tpu.memory_space<vmem>> -> memref<1x64x768xf32, #tpu.memory_space<vmem>>
    %dma_start3A_87 = tpu.memref_squeeze %dma_start3A_86 : memref<1x64x768xf32, #tpu.memory_space<vmem>> -> memref<64x768xf32, #tpu.memory_space<vmem>>
    tpu.enqueue_dma source(%dma_start3A_87 : memref<64x768xf32, #tpu.memory_space<vmem>>) target(%dma_start3A_83 : memref<64x768xf32, #tpu.memory_space<hbm>>) target_semaphore(%arg9 : memref<!tpu.dma_semaphore, #tpu.memory_space<semaphore_mem>>)
    %dma_wait3A_88 = arith.constant 1 : i32
    %dma_wait3A_89 = arith.constant 1 : i32
    %dma_wait3A_90 = arith.constant 0 : i32
    %dma_wait3A_91 = arith.constant 0 : i32
    %dma_wait3A_92 = tpu.memref_slice %arg6[%dma_wait3A_89, %dma_wait3A_90, %dma_wait3A_91] : memref<2x64x768xf32, #tpu.memory_space<vmem>> -> memref<1x64x768xf32, #tpu.memory_space<vmem>>
    %dma_wait3A_93 = tpu.memref_squeeze %dma_wait3A_92 : memref<1x64x768xf32, #tpu.memory_space<vmem>> -> memref<64x768xf32, #tpu.memory_space<vmem>>
    %dma_wait3A_94 = arith.constant 0 : i32
    %dma_wait3A_95 = tpu.memref_slice %arg5[%dma_wait3A_88, %dma_wait3A_94] : memref<2x64xi32, #tpu.memory_space<vmem>> -> memref<1x64xi32, #tpu.memory_space<vmem>>
    %dma_wait3A_96 = tpu.memref_squeeze %dma_wait3A_95 : memref<1x64xi32, #tpu.memory_space<vmem>> -> memref<64xi32, #tpu.memory_space<vmem>>
    %dma_wait3A_97 = arith.constant 0 : i32
    %dma_wait3A_98 = arith.constant 0 : i32
    %dma_wait3A_99 = tpu.memref_slice %arg3[%dma_wait3A_97, %dma_wait3A_98] : memref<8192x768xf32, #tpu.memory_space<hbm>> -> memref<8192x768xf32, #tpu.memory_space<hbm>>
    tpu.wait_indirect_dma semaphore(%arg8 : memref<!tpu.dma_semaphore, #tpu.memory_space<semaphore_mem>>) src(%dma_wait3A_99 : memref<8192x768xf32, #tpu.memory_space<hbm>>) dst(%dma_wait3A_93 : memref<64x768xf32, #tpu.memory_space<vmem>>)
    %add3A_100 = arith.constant 64 : i32
    %add3A_101 = arith.addi %mul3A_2, %add3A_100 : i32
    %dma_start3A_102 = arith.constant 1 : i32
    %dma_start3A_103 = arith.constant 0 : i32
    %dma_start3A_104 = arith.constant 0 : i32
    %dma_start3A_105 = tpu.memref_slice %arg6[%dma_start3A_102, %dma_start3A_103, %dma_start3A_104] : memref<2x64x768xf32, #tpu.memory_space<vmem>> -> memref<1x64x768xf32, #tpu.memory_space<vmem>>
    %dma_start3A_106 = tpu.memref_squeeze %dma_start3A_105 : memref<1x64x768xf32, #tpu.memory_space<vmem>> -> memref<64x768xf32, #tpu.memory_space<vmem>>
    %dma_start3A_107 = arith.constant 0 : i32
    %dma_start3A_108 = tpu.memref_slice %arg4[%add3A_101, %dma_start3A_107] : memref<4096x768xf32, #tpu.memory_space<hbm>> -> memref<64x768xf32, #tpu.memory_space<hbm>>
    %dma_start3A_109 = arith.constant 0 : i32
    %dma_start3A_110 = tpu.memref_slice %arg4[%add3A_101, %dma_start3A_109] : memref<4096x768xf32, #tpu.memory_space<hbm>> -> memref<64x768xf32, #tpu.memory_space<hbm>>
    %dma_start3A_111 = arith.constant 0 : i32
    %dma_start3A_112 = arith.constant 0 : i32
    %dma_start3A_113 = tpu.memref_slice %arg6[%dma_start3A_102, %dma_start3A_111, %dma_start3A_112] : memref<2x64x768xf32, #tpu.memory_space<vmem>> -> memref<1x64x768xf32, #tpu.memory_space<vmem>>
    %dma_start3A_114 = tpu.memref_squeeze %dma_start3A_113 : memref<1x64x768xf32, #tpu.memory_space<vmem>> -> memref<64x768xf32, #tpu.memory_space<vmem>>
    tpu.enqueue_dma source(%dma_start3A_114 : memref<64x768xf32, #tpu.memory_space<vmem>>) target(%dma_start3A_110 : memref<64x768xf32, #tpu.memory_space<hbm>>) target_semaphore(%arg9 : memref<!tpu.dma_semaphore, #tpu.memory_space<semaphore_mem>>)
    %dma_wait3A_115 = arith.constant 0 : i32
    %dma_wait3A_116 = arith.constant 0 : i32
    %dma_wait3A_117 = arith.constant 0 : i32
    %dma_wait3A_118 = tpu.memref_slice %arg6[%dma_wait3A_115, %dma_wait3A_116, %dma_wait3A_117] : memref<2x64x768xf32, #tpu.memory_space<vmem>> -> memref<1x64x768xf32, #tpu.memory_space<vmem>>
    %dma_wait3A_119 = tpu.memref_squeeze %dma_wait3A_118 : memref<1x64x768xf32, #tpu.memory_space<vmem>> -> memref<64x768xf32, #tpu.memory_space<vmem>>
    %dma_wait3A_120 = arith.constant 0 : i32
    %dma_wait3A_121 = tpu.memref_slice %arg4[%mul3A_2, %dma_wait3A_120] : memref<4096x768xf32, #tpu.memory_space<hbm>> -> memref<64x768xf32, #tpu.memory_space<hbm>>
    %dma_wait3A_122 = arith.constant 0 : i32
    %dma_wait3A_123 = tpu.memref_slice %arg4[%mul3A_2, %dma_wait3A_122] : memref<4096x768xf32, #tpu.memory_space<hbm>> -> memref<64x768xf32, #tpu.memory_space<hbm>>
    %dma_wait3A_124 = arith.constant 0 : i32
    %dma_wait3A_125 = arith.constant 0 : i32
    %dma_wait3A_126 = tpu.memref_slice %arg6[%dma_wait3A_115, %dma_wait3A_124, %dma_wait3A_125] : memref<2x64x768xf32, #tpu.memory_space<vmem>> -> memref<1x64x768xf32, #tpu.memory_space<vmem>>
    %dma_wait3A_127 = tpu.memref_squeeze %dma_wait3A_126 : memref<1x64x768xf32, #tpu.memory_space<vmem>> -> memref<64x768xf32, #tpu.memory_space<vmem>>
    tpu.wait_dma2 semaphore(%arg9 : memref<!tpu.dma_semaphore, #tpu.memory_space<semaphore_mem>>) src(%dma_wait3A_127 : memref<64x768xf32, #tpu.memory_space<vmem>>) dst(%dma_wait3A_123 : memref<64x768xf32, #tpu.memory_space<hbm>>)
    %dma_wait3A_128 = arith.constant 1 : i32
    %dma_wait3A_129 = arith.constant 0 : i32
    %dma_wait3A_130 = arith.constant 0 : i32
    %dma_wait3A_131 = tpu.memref_slice %arg6[%dma_wait3A_128, %dma_wait3A_129, %dma_wait3A_130] : memref<2x64x768xf32, #tpu.memory_space<vmem>> -> memref<1x64x768xf32, #tpu.memory_space<vmem>>
    %dma_wait3A_132 = tpu.memref_squeeze %dma_wait3A_131 : memref<1x64x768xf32, #tpu.memory_space<vmem>> -> memref<64x768xf32, #tpu.memory_space<vmem>>
    %dma_wait3A_133 = arith.constant 0 : i32
    %dma_wait3A_134 = tpu.memref_slice %arg4[%add3A_101, %dma_wait3A_133] : memref<4096x768xf32, #tpu.memory_space<hbm>> -> memref<64x768xf32, #tpu.memory_space<hbm>>
    %dma_wait3A_135 = arith.constant 0 : i32
    %dma_wait3A_136 = tpu.memref_slice %arg4[%add3A_101, %dma_wait3A_135] : memref<4096x768xf32, #tpu.memory_space<hbm>> -> memref<64x768xf32, #tpu.memory_space<hbm>>
    %dma_wait3A_137 = arith.constant 0 : i32
    %dma_wait3A_138 = arith.constant 0 : i32
    %dma_wait3A_139 = tpu.memref_slice %arg6[%dma_wait3A_128, %dma_wait3A_137, %dma_wait3A_138] : memref<2x64x768xf32, #tpu.memory_space<vmem>> -> memref<1x64x768xf32, #tpu.memory_space<vmem>>
    %dma_wait3A_140 = tpu.memref_squeeze %dma_wait3A_139 : memref<1x64x768xf32, #tpu.memory_space<vmem>> -> memref<64x768xf32, #tpu.memory_space<vmem>>
    tpu.wait_dma2 semaphore(%arg9 : memref<!tpu.dma_semaphore, #tpu.memory_space<semaphore_mem>>) src(%dma_wait3A_140 : memref<64x768xf32, #tpu.memory_space<vmem>>) dst(%dma_wait3A_136 : memref<64x768xf32, #tpu.memory_space<hbm>>)
    return
  }
}

#map = affine_map<(d0, d1) -> (0)>
#map1 = affine_map<(d0, d1) -> (0, 0)>
module attributes {stable_mosaic.version = 14 : i64} {
  func.func @_dispatch(%arg0: i32, %arg1: i32, %arg2: memref<4096xi32, #tpu.memory_space<hbm>>, %arg3: memref<2048x768xf32, #tpu.memory_space<hbm>>, %arg4: memref<8192x768xf32, #tpu.memory_space<hbm>>, %arg5: memref<2x64xi32, #tpu.memory_space<vmem>>, %arg6: memref<2x64x768xf32, #tpu.memory_space<vmem>>, %arg7: memref<!tpu.dma_semaphore, #tpu.memory_space<semaphore_mem>>, %arg8: memref<!tpu.dma_semaphore, #tpu.memory_space<semaphore_mem>>, %arg9: memref<!tpu.dma_semaphore, #tpu.memory_space<semaphore_mem>>) attributes {dimension_semantics = [#tpu.dimension_semantics<core_parallel>, #tpu.dimension_semantics<subcore_parallel>], iteration_bounds = array<i64: 2, 16>, scalar_prefetch = 0 : i64, scratch_operands = 5 : i64, tpu.core_type = #tpu.core_type<sc_vector_subcore>, window_params = [{transform_indices = #map}, {transform_indices = #map1}, {transform_indices = #map1}]} {
    %mul3A = arith.constant 2 : i32
    %mul3A_0 = arith.muli %arg1, %mul3A : i32
    %add3A = arith.addi %mul3A_0, %arg0 : i32
    %mul3A_1 = arith.constant 128 : i32
    %mul3A_2 = arith.muli %add3A, %mul3A_1 : i32
    %rem3A = arith.constant 2048 : i32
    %rem3A_3 = arith.remsi %mul3A_2, %rem3A : i32
    %dma_start3A = arith.constant 0 : i32
    %dma_start3A_4 = arith.constant 0 : i32
    %dma_start3A_5 = tpu.memref_slice %arg5[%dma_start3A, %dma_start3A_4] : memref<2x64xi32, #tpu.memory_space<vmem>> -> memref<1x64xi32, #tpu.memory_space<vmem>>
    %dma_start3A_6 = tpu.memref_squeeze %dma_start3A_5 : memref<1x64xi32, #tpu.memory_space<vmem>> -> memref<64xi32, #tpu.memory_space<vmem>>
    %dma_start3A_7 = tpu.memref_slice %arg2[%mul3A_2] : memref<4096xi32, #tpu.memory_space<hbm>> -> memref<64xi32, #tpu.memory_space<hbm>>
    %dma_start3A_8 = arith.constant 0 : i32
    %dma_start3A_9 = tpu.memref_slice %arg5[%dma_start3A, %dma_start3A_8] : memref<2x64xi32, #tpu.memory_space<vmem>> -> memref<1x64xi32, #tpu.memory_space<vmem>>
    %dma_start3A_10 = tpu.memref_squeeze %dma_start3A_9 : memref<1x64xi32, #tpu.memory_space<vmem>> -> memref<64xi32, #tpu.memory_space<vmem>>
    %dma_start3A_11 = tpu.memref_slice %arg2[%mul3A_2] : memref<4096xi32, #tpu.memory_space<hbm>> -> memref<64xi32, #tpu.memory_space<hbm>>
    tpu.enqueue_dma source(%dma_start3A_11 : memref<64xi32, #tpu.memory_space<hbm>>) target(%dma_start3A_10 : memref<64xi32, #tpu.memory_space<vmem>>) target_semaphore(%arg7 : memref<!tpu.dma_semaphore, #tpu.memory_space<semaphore_mem>>)
    %add3A_12 = arith.constant 64 : i32
    %add3A_13 = arith.addi %mul3A_2, %add3A_12 : i32
    %dma_start3A_14 = arith.constant 1 : i32
    %dma_start3A_15 = arith.constant 0 : i32
    %dma_start3A_16 = tpu.memref_slice %arg5[%dma_start3A_14, %dma_start3A_15] : memref<2x64xi32, #tpu.memory_space<vmem>> -> memref<1x64xi32, #tpu.memory_space<vmem>>
    %dma_start3A_17 = tpu.memref_squeeze %dma_start3A_16 : memref<1x64xi32, #tpu.memory_space<vmem>> -> memref<64xi32, #tpu.memory_space<vmem>>
    %dma_start3A_18 = tpu.memref_slice %arg2[%add3A_13] : memref<4096xi32, #tpu.memory_space<hbm>> -> memref<64xi32, #tpu.memory_space<hbm>>
    %dma_start3A_19 = arith.constant 0 : i32
    %dma_start3A_20 = tpu.memref_slice %arg5[%dma_start3A_14, %dma_start3A_19] : memref<2x64xi32, #tpu.memory_space<vmem>> -> memref<1x64xi32, #tpu.memory_space<vmem>>
    %dma_start3A_21 = tpu.memref_squeeze %dma_start3A_20 : memref<1x64xi32, #tpu.memory_space<vmem>> -> memref<64xi32, #tpu.memory_space<vmem>>
    %dma_start3A_22 = tpu.memref_slice %arg2[%add3A_13] : memref<4096xi32, #tpu.memory_space<hbm>> -> memref<64xi32, #tpu.memory_space<hbm>>
    tpu.enqueue_dma source(%dma_start3A_22 : memref<64xi32, #tpu.memory_space<hbm>>) target(%dma_start3A_21 : memref<64xi32, #tpu.memory_space<vmem>>) target_semaphore(%arg7 : memref<!tpu.dma_semaphore, #tpu.memory_space<semaphore_mem>>)
    %dma_start3A_23 = arith.constant 0 : i32
    %dma_start3A_24 = arith.constant 0 : i32
    %dma_start3A_25 = arith.constant 0 : i32
    %dma_start3A_26 = tpu.memref_slice %arg6[%dma_start3A_23, %dma_start3A_24, %dma_start3A_25] : memref<2x64x768xf32, #tpu.memory_space<vmem>> -> memref<1x64x768xf32, #tpu.memory_space<vmem>>
    %dma_start3A_27 = tpu.memref_squeeze %dma_start3A_26 : memref<1x64x768xf32, #tpu.memory_space<vmem>> -> memref<64x768xf32, #tpu.memory_space<vmem>>
    %dma_start3A_28 = arith.constant 0 : i32
    %dma_start3A_29 = tpu.memref_slice %arg3[%rem3A_3, %dma_start3A_28] : memref<2048x768xf32, #tpu.memory_space<hbm>> -> memref<64x768xf32, #tpu.memory_space<hbm>>
    %dma_start3A_30 = arith.constant 0 : i32
    %dma_start3A_31 = arith.constant 0 : i32
    %dma_start3A_32 = tpu.memref_slice %arg6[%dma_start3A_23, %dma_start3A_30, %dma_start3A_31] : memref<2x64x768xf32, #tpu.memory_space<vmem>> -> memref<1x64x768xf32, #tpu.memory_space<vmem>>
    %dma_start3A_33 = tpu.memref_squeeze %dma_start3A_32 : memref<1x64x768xf32, #tpu.memory_space<vmem>> -> memref<64x768xf32, #tpu.memory_space<vmem>>
    %dma_start3A_34 = arith.constant 0 : i32
    %dma_start3A_35 = tpu.memref_slice %arg3[%rem3A_3, %dma_start3A_34] : memref<2048x768xf32, #tpu.memory_space<hbm>> -> memref<64x768xf32, #tpu.memory_space<hbm>>
    tpu.enqueue_dma source(%dma_start3A_35 : memref<64x768xf32, #tpu.memory_space<hbm>>) target(%dma_start3A_33 : memref<64x768xf32, #tpu.memory_space<vmem>>) target_semaphore(%arg8 : memref<!tpu.dma_semaphore, #tpu.memory_space<semaphore_mem>>)
    %add3A_36 = arith.constant 64 : i32
    %add3A_37 = arith.addi %rem3A_3, %add3A_36 : i32
    %dma_start3A_38 = arith.constant 1 : i32
    %dma_start3A_39 = arith.constant 0 : i32
    %dma_start3A_40 = arith.constant 0 : i32
    %dma_start3A_41 = tpu.memref_slice %arg6[%dma_start3A_38, %dma_start3A_39, %dma_start3A_40] : memref<2x64x768xf32, #tpu.memory_space<vmem>> -> memref<1x64x768xf32, #tpu.memory_space<vmem>>
    %dma_start3A_42 = tpu.memref_squeeze %dma_start3A_41 : memref<1x64x768xf32, #tpu.memory_space<vmem>> -> memref<64x768xf32, #tpu.memory_space<vmem>>
    %dma_start3A_43 = arith.constant 0 : i32
    %dma_start3A_44 = tpu.memref_slice %arg3[%add3A_37, %dma_start3A_43] : memref<2048x768xf32, #tpu.memory_space<hbm>> -> memref<64x768xf32, #tpu.memory_space<hbm>>
    %dma_start3A_45 = arith.constant 0 : i32
    %dma_start3A_46 = arith.constant 0 : i32
    %dma_start3A_47 = tpu.memref_slice %arg6[%dma_start3A_38, %dma_start3A_45, %dma_start3A_46] : memref<2x64x768xf32, #tpu.memory_space<vmem>> -> memref<1x64x768xf32, #tpu.memory_space<vmem>>
    %dma_start3A_48 = tpu.memref_squeeze %dma_start3A_47 : memref<1x64x768xf32, #tpu.memory_space<vmem>> -> memref<64x768xf32, #tpu.memory_space<vmem>>
    %dma_start3A_49 = arith.constant 0 : i32
    %dma_start3A_50 = tpu.memref_slice %arg3[%add3A_37, %dma_start3A_49] : memref<2048x768xf32, #tpu.memory_space<hbm>> -> memref<64x768xf32, #tpu.memory_space<hbm>>
    tpu.enqueue_dma source(%dma_start3A_50 : memref<64x768xf32, #tpu.memory_space<hbm>>) target(%dma_start3A_48 : memref<64x768xf32, #tpu.memory_space<vmem>>) target_semaphore(%arg8 : memref<!tpu.dma_semaphore, #tpu.memory_space<semaphore_mem>>)
    %dma_wait3A = arith.constant 0 : i32
    %dma_wait3A_51 = arith.constant 0 : i32
    %dma_wait3A_52 = tpu.memref_slice %arg5[%dma_wait3A, %dma_wait3A_51] : memref<2x64xi32, #tpu.memory_space<vmem>> -> memref<1x64xi32, #tpu.memory_space<vmem>>
    %dma_wait3A_53 = tpu.memref_squeeze %dma_wait3A_52 : memref<1x64xi32, #tpu.memory_space<vmem>> -> memref<64xi32, #tpu.memory_space<vmem>>
    %dma_wait3A_54 = tpu.memref_slice %arg2[%mul3A_2] : memref<4096xi32, #tpu.memory_space<hbm>> -> memref<64xi32, #tpu.memory_space<hbm>>
    %dma_wait3A_55 = arith.constant 0 : i32
    %dma_wait3A_56 = tpu.memref_slice %arg5[%dma_wait3A, %dma_wait3A_55] : memref<2x64xi32, #tpu.memory_space<vmem>> -> memref<1x64xi32, #tpu.memory_space<vmem>>
    %dma_wait3A_57 = tpu.memref_squeeze %dma_wait3A_56 : memref<1x64xi32, #tpu.memory_space<vmem>> -> memref<64xi32, #tpu.memory_space<vmem>>
    %dma_wait3A_58 = tpu.memref_slice %arg2[%mul3A_2] : memref<4096xi32, #tpu.memory_space<hbm>> -> memref<64xi32, #tpu.memory_space<hbm>>
    tpu.wait_dma2 semaphore(%arg7 : memref<!tpu.dma_semaphore, #tpu.memory_space<semaphore_mem>>) src(%dma_wait3A_58 : memref<64xi32, #tpu.memory_space<hbm>>) dst(%dma_wait3A_57 : memref<64xi32, #tpu.memory_space<vmem>>)
    %dma_wait3A_59 = arith.constant 0 : i32
    %dma_wait3A_60 = arith.constant 0 : i32
    %dma_wait3A_61 = arith.constant 0 : i32
    %dma_wait3A_62 = tpu.memref_slice %arg6[%dma_wait3A_59, %dma_wait3A_60, %dma_wait3A_61] : memref<2x64x768xf32, #tpu.memory_space<vmem>> -> memref<1x64x768xf32, #tpu.memory_space<vmem>>
    %dma_wait3A_63 = tpu.memref_squeeze %dma_wait3A_62 : memref<1x64x768xf32, #tpu.memory_space<vmem>> -> memref<64x768xf32, #tpu.memory_space<vmem>>
    %dma_wait3A_64 = arith.constant 0 : i32
    %dma_wait3A_65 = tpu.memref_slice %arg3[%rem3A_3, %dma_wait3A_64] : memref<2048x768xf32, #tpu.memory_space<hbm>> -> memref<64x768xf32, #tpu.memory_space<hbm>>
    %dma_wait3A_66 = arith.constant 0 : i32
    %dma_wait3A_67 = arith.constant 0 : i32
    %dma_wait3A_68 = tpu.memref_slice %arg6[%dma_wait3A_59, %dma_wait3A_66, %dma_wait3A_67] : memref<2x64x768xf32, #tpu.memory_space<vmem>> -> memref<1x64x768xf32, #tpu.memory_space<vmem>>
    %dma_wait3A_69 = tpu.memref_squeeze %dma_wait3A_68 : memref<1x64x768xf32, #tpu.memory_space<vmem>> -> memref<64x768xf32, #tpu.memory_space<vmem>>
    %dma_wait3A_70 = arith.constant 0 : i32
    %dma_wait3A_71 = tpu.memref_slice %arg3[%rem3A_3, %dma_wait3A_70] : memref<2048x768xf32, #tpu.memory_space<hbm>> -> memref<64x768xf32, #tpu.memory_space<hbm>>
    tpu.wait_dma2 semaphore(%arg8 : memref<!tpu.dma_semaphore, #tpu.memory_space<semaphore_mem>>) src(%dma_wait3A_71 : memref<64x768xf32, #tpu.memory_space<hbm>>) dst(%dma_wait3A_69 : memref<64x768xf32, #tpu.memory_space<vmem>>)
    %dma_start3A_72 = arith.constant 0 : i32
    %dma_start3A_73 = arith.constant 0 : i32
    %dma_start3A_74 = arith.constant 0 : i32
    %dma_start3A_75 = arith.constant 0 : i32
    %dma_start3A_76 = tpu.memref_slice %arg6[%dma_start3A_72, %dma_start3A_74, %dma_start3A_75] : memref<2x64x768xf32, #tpu.memory_space<vmem>> -> memref<1x64x768xf32, #tpu.memory_space<vmem>>
    %dma_start3A_77 = tpu.memref_squeeze %dma_start3A_76 : memref<1x64x768xf32, #tpu.memory_space<vmem>> -> memref<64x768xf32, #tpu.memory_space<vmem>>
    %dma_start3A_78 = arith.constant 0 : i32
    %dma_start3A_79 = tpu.memref_slice %arg5[%dma_start3A_73, %dma_start3A_78] : memref<2x64xi32, #tpu.memory_space<vmem>> -> memref<1x64xi32, #tpu.memory_space<vmem>>
    %dma_start3A_80 = tpu.memref_squeeze %dma_start3A_79 : memref<1x64xi32, #tpu.memory_space<vmem>> -> memref<64xi32, #tpu.memory_space<vmem>>
    %dma_start3A_81 = arith.constant 0 : i32
    %dma_start3A_82 = arith.constant 0 : i32
    %dma_start3A_83 = tpu.memref_slice %arg4[%dma_start3A_81, %dma_start3A_82] : memref<8192x768xf32, #tpu.memory_space<hbm>> -> memref<8192x768xf32, #tpu.memory_space<hbm>>
    tpu.enqueue_indirect_dma source(%dma_start3A_77 : memref<64x768xf32, #tpu.memory_space<vmem>>) target(%dma_start3A_83 : memref<8192x768xf32, #tpu.memory_space<hbm>>) offsets(%dma_start3A_80 : memref<64xi32, #tpu.memory_space<vmem>>) semaphore(%arg9 : memref<!tpu.dma_semaphore, #tpu.memory_space<semaphore_mem>>)
    %dma_wait3A_84 = arith.constant 1 : i32
    %dma_wait3A_85 = arith.constant 0 : i32
    %dma_wait3A_86 = tpu.memref_slice %arg5[%dma_wait3A_84, %dma_wait3A_85] : memref<2x64xi32, #tpu.memory_space<vmem>> -> memref<1x64xi32, #tpu.memory_space<vmem>>
    %dma_wait3A_87 = tpu.memref_squeeze %dma_wait3A_86 : memref<1x64xi32, #tpu.memory_space<vmem>> -> memref<64xi32, #tpu.memory_space<vmem>>
    %dma_wait3A_88 = tpu.memref_slice %arg2[%add3A_13] : memref<4096xi32, #tpu.memory_space<hbm>> -> memref<64xi32, #tpu.memory_space<hbm>>
    %dma_wait3A_89 = arith.constant 0 : i32
    %dma_wait3A_90 = tpu.memref_slice %arg5[%dma_wait3A_84, %dma_wait3A_89] : memref<2x64xi32, #tpu.memory_space<vmem>> -> memref<1x64xi32, #tpu.memory_space<vmem>>
    %dma_wait3A_91 = tpu.memref_squeeze %dma_wait3A_90 : memref<1x64xi32, #tpu.memory_space<vmem>> -> memref<64xi32, #tpu.memory_space<vmem>>
    %dma_wait3A_92 = tpu.memref_slice %arg2[%add3A_13] : memref<4096xi32, #tpu.memory_space<hbm>> -> memref<64xi32, #tpu.memory_space<hbm>>
    tpu.wait_dma2 semaphore(%arg7 : memref<!tpu.dma_semaphore, #tpu.memory_space<semaphore_mem>>) src(%dma_wait3A_92 : memref<64xi32, #tpu.memory_space<hbm>>) dst(%dma_wait3A_91 : memref<64xi32, #tpu.memory_space<vmem>>)
    %dma_wait3A_93 = arith.constant 1 : i32
    %dma_wait3A_94 = arith.constant 0 : i32
    %dma_wait3A_95 = arith.constant 0 : i32
    %dma_wait3A_96 = tpu.memref_slice %arg6[%dma_wait3A_93, %dma_wait3A_94, %dma_wait3A_95] : memref<2x64x768xf32, #tpu.memory_space<vmem>> -> memref<1x64x768xf32, #tpu.memory_space<vmem>>
    %dma_wait3A_97 = tpu.memref_squeeze %dma_wait3A_96 : memref<1x64x768xf32, #tpu.memory_space<vmem>> -> memref<64x768xf32, #tpu.memory_space<vmem>>
    %dma_wait3A_98 = arith.constant 0 : i32
    %dma_wait3A_99 = tpu.memref_slice %arg3[%add3A_37, %dma_wait3A_98] : memref<2048x768xf32, #tpu.memory_space<hbm>> -> memref<64x768xf32, #tpu.memory_space<hbm>>
    %dma_wait3A_100 = arith.constant 0 : i32
    %dma_wait3A_101 = arith.constant 0 : i32
    %dma_wait3A_102 = tpu.memref_slice %arg6[%dma_wait3A_93, %dma_wait3A_100, %dma_wait3A_101] : memref<2x64x768xf32, #tpu.memory_space<vmem>> -> memref<1x64x768xf32, #tpu.memory_space<vmem>>
    %dma_wait3A_103 = tpu.memref_squeeze %dma_wait3A_102 : memref<1x64x768xf32, #tpu.memory_space<vmem>> -> memref<64x768xf32, #tpu.memory_space<vmem>>
    %dma_wait3A_104 = arith.constant 0 : i32
    %dma_wait3A_105 = tpu.memref_slice %arg3[%add3A_37, %dma_wait3A_104] : memref<2048x768xf32, #tpu.memory_space<hbm>> -> memref<64x768xf32, #tpu.memory_space<hbm>>
    tpu.wait_dma2 semaphore(%arg8 : memref<!tpu.dma_semaphore, #tpu.memory_space<semaphore_mem>>) src(%dma_wait3A_105 : memref<64x768xf32, #tpu.memory_space<hbm>>) dst(%dma_wait3A_103 : memref<64x768xf32, #tpu.memory_space<vmem>>)
    %dma_start3A_106 = arith.constant 1 : i32
    %dma_start3A_107 = arith.constant 1 : i32
    %dma_start3A_108 = arith.constant 0 : i32
    %dma_start3A_109 = arith.constant 0 : i32
    %dma_start3A_110 = tpu.memref_slice %arg6[%dma_start3A_106, %dma_start3A_108, %dma_start3A_109] : memref<2x64x768xf32, #tpu.memory_space<vmem>> -> memref<1x64x768xf32, #tpu.memory_space<vmem>>
    %dma_start3A_111 = tpu.memref_squeeze %dma_start3A_110 : memref<1x64x768xf32, #tpu.memory_space<vmem>> -> memref<64x768xf32, #tpu.memory_space<vmem>>
    %dma_start3A_112 = arith.constant 0 : i32
    %dma_start3A_113 = tpu.memref_slice %arg5[%dma_start3A_107, %dma_start3A_112] : memref<2x64xi32, #tpu.memory_space<vmem>> -> memref<1x64xi32, #tpu.memory_space<vmem>>
    %dma_start3A_114 = tpu.memref_squeeze %dma_start3A_113 : memref<1x64xi32, #tpu.memory_space<vmem>> -> memref<64xi32, #tpu.memory_space<vmem>>
    %dma_start3A_115 = arith.constant 0 : i32
    %dma_start3A_116 = arith.constant 0 : i32
    %dma_start3A_117 = tpu.memref_slice %arg4[%dma_start3A_115, %dma_start3A_116] : memref<8192x768xf32, #tpu.memory_space<hbm>> -> memref<8192x768xf32, #tpu.memory_space<hbm>>
    tpu.enqueue_indirect_dma source(%dma_start3A_111 : memref<64x768xf32, #tpu.memory_space<vmem>>) target(%dma_start3A_117 : memref<8192x768xf32, #tpu.memory_space<hbm>>) offsets(%dma_start3A_114 : memref<64xi32, #tpu.memory_space<vmem>>) semaphore(%arg9 : memref<!tpu.dma_semaphore, #tpu.memory_space<semaphore_mem>>)
    %dma_wait3A_118 = arith.constant 0 : i32
    %dma_wait3A_119 = arith.constant 0 : i32
    %dma_wait3A_120 = arith.constant 0 : i32
    %dma_wait3A_121 = arith.constant 0 : i32
    %dma_wait3A_122 = tpu.memref_slice %arg6[%dma_wait3A_118, %dma_wait3A_120, %dma_wait3A_121] : memref<2x64x768xf32, #tpu.memory_space<vmem>> -> memref<1x64x768xf32, #tpu.memory_space<vmem>>
    %dma_wait3A_123 = tpu.memref_squeeze %dma_wait3A_122 : memref<1x64x768xf32, #tpu.memory_space<vmem>> -> memref<64x768xf32, #tpu.memory_space<vmem>>
    %dma_wait3A_124 = arith.constant 0 : i32
    %dma_wait3A_125 = tpu.memref_slice %arg5[%dma_wait3A_119, %dma_wait3A_124] : memref<2x64xi32, #tpu.memory_space<vmem>> -> memref<1x64xi32, #tpu.memory_space<vmem>>
    %dma_wait3A_126 = tpu.memref_squeeze %dma_wait3A_125 : memref<1x64xi32, #tpu.memory_space<vmem>> -> memref<64xi32, #tpu.memory_space<vmem>>
    %dma_wait3A_127 = arith.constant 0 : i32
    %dma_wait3A_128 = arith.constant 0 : i32
    %dma_wait3A_129 = tpu.memref_slice %arg4[%dma_wait3A_127, %dma_wait3A_128] : memref<8192x768xf32, #tpu.memory_space<hbm>> -> memref<8192x768xf32, #tpu.memory_space<hbm>>
    tpu.wait_indirect_dma semaphore(%arg9 : memref<!tpu.dma_semaphore, #tpu.memory_space<semaphore_mem>>) src(%dma_wait3A_123 : memref<64x768xf32, #tpu.memory_space<vmem>>) dst(%dma_wait3A_129 : memref<8192x768xf32, #tpu.memory_space<hbm>>)
    %dma_wait3A_130 = arith.constant 1 : i32
    %dma_wait3A_131 = arith.constant 1 : i32
    %dma_wait3A_132 = arith.constant 0 : i32
    %dma_wait3A_133 = arith.constant 0 : i32
    %dma_wait3A_134 = tpu.memref_slice %arg6[%dma_wait3A_130, %dma_wait3A_132, %dma_wait3A_133] : memref<2x64x768xf32, #tpu.memory_space<vmem>> -> memref<1x64x768xf32, #tpu.memory_space<vmem>>
    %dma_wait3A_135 = tpu.memref_squeeze %dma_wait3A_134 : memref<1x64x768xf32, #tpu.memory_space<vmem>> -> memref<64x768xf32, #tpu.memory_space<vmem>>
    %dma_wait3A_136 = arith.constant 0 : i32
    %dma_wait3A_137 = tpu.memref_slice %arg5[%dma_wait3A_131, %dma_wait3A_136] : memref<2x64xi32, #tpu.memory_space<vmem>> -> memref<1x64xi32, #tpu.memory_space<vmem>>
    %dma_wait3A_138 = tpu.memref_squeeze %dma_wait3A_137 : memref<1x64xi32, #tpu.memory_space<vmem>> -> memref<64xi32, #tpu.memory_space<vmem>>
    %dma_wait3A_139 = arith.constant 0 : i32
    %dma_wait3A_140 = arith.constant 0 : i32
    %dma_wait3A_141 = tpu.memref_slice %arg4[%dma_wait3A_139, %dma_wait3A_140] : memref<8192x768xf32, #tpu.memory_space<hbm>> -> memref<8192x768xf32, #tpu.memory_space<hbm>>
    tpu.wait_indirect_dma semaphore(%arg9 : memref<!tpu.dma_semaphore, #tpu.memory_space<semaphore_mem>>) src(%dma_wait3A_135 : memref<64x768xf32, #tpu.memory_space<vmem>>) dst(%dma_wait3A_141 : memref<8192x768xf32, #tpu.memory_space<hbm>>)
    return
  }
}

module attributes {stable_mosaic.version = 14 : i64} {
  func.func @_grouped_body(%arg0: i32, %arg1: memref<16x1xi32, #tpu.memory_space<smem>>, %arg2: memref<16x1xi32, #tpu.memory_space<smem>>, %arg3: memref<512x768xf32, #tpu.memory_space<vmem>>, %arg4: memref<1x768x1280xf32, #tpu.memory_space<vmem>>, %arg5: memref<1x768x1280xf32, #tpu.memory_space<vmem>>, %arg6: memref<1x1280x768xf32, #tpu.memory_space<vmem>>, %arg7: memref<512x768xf32, #tpu.memory_space<vmem>>) attributes {dimension_semantics = [#tpu.dimension_semantics<arbitrary>], iteration_bounds = array<i64: 16>, scalar_prefetch = 2 : i64, scratch_operands = 0 : i64, tpu.core_type = #tpu.core_type<tc>, window_params = [{transform_indices = @transform_0, window_bounds = array<i64: 512, 768>}, {transform_indices = @transform_1, window_bounds = array<i64: 1, 768, 1280>}, {transform_indices = @transform_2, window_bounds = array<i64: 1, 768, 1280>}, {transform_indices = @transform_3, window_bounds = array<i64: 1, 1280, 768>}, {transform_indices = @transform_4, window_bounds = array<i64: 512, 768>}]} {
    %get3A = arith.index_cast %arg0 : i32 to index
    %get3A_0 = arith.constant 0 : index
    %get3A_1 = memref.load %arg2[%get3A, %get3A_0] : memref<16x1xi32, #tpu.memory_space<smem>>
    %eq3A = arith.constant 1 : i32
    %eq3A_2 = arith.cmpi eq, %get3A_1, %eq3A : i32
    %convert_element_type3A = arith.extui %eq3A_2 : i1 to i32
    %cond3A = arith.constant 0 : i32
    %cond3A_3 = arith.cmpi ne, %convert_element_type3A, %cond3A : i32
    scf.if %cond3A_3 {
      %get3A_4 = arith.constant 0 : index
      %get3A_5 = arith.constant 0 : index
      %get3A_6 = vector.load %arg3[%get3A_4, %get3A_5] : memref<512x768xf32, #tpu.memory_space<vmem>>, vector<512x768xf32>
      %get3A_7 = arith.constant 0 : index
      %get3A_8 = arith.constant 0 : index
      %get3A_9 = arith.constant 0 : index
      %get3A_10 = vector.load %arg4[%get3A_7, %get3A_8, %get3A_9] : memref<1x768x1280xf32, #tpu.memory_space<vmem>>, vector<1x768x1280xf32>
      %get3A_11 = vector.shape_cast %get3A_10 : vector<1x768x1280xf32> to vector<768x1280xf32>
      %dot_general3A = arith.constant dense<0.000000e+00> : vector<512x1280xf32>
      %dot_general3A_12 = tpu.matmul %get3A_6, %get3A_11, %dot_general3A {dimension_numbers = #tpu.dot_dimension_numbers<[1], [0], [0], [1], [0, 0, 1, 1], [], []>, transpose_lhs_hint = false} : vector<512x768xf32>, vector<768x1280xf32>, vector<512x1280xf32> -> vector<512x1280xf32>
      %logistic3A = arith.negf %dot_general3A_12 : vector<512x1280xf32>
      %logistic3A_13 = math.exp %logistic3A : vector<512x1280xf32>
      %logistic3A_14 = arith.constant 1.000000e+00 : f32
      %logistic3A_15 = vector.broadcast %logistic3A_14 : f32 to vector<512x1280xf32>
      %logistic3A_16 = arith.addf %logistic3A_15, %logistic3A_13 : vector<512x1280xf32>
      %logistic3A_17 = arith.divf %logistic3A_15, %logistic3A_16 : vector<512x1280xf32>
      %mul3A = arith.mulf %dot_general3A_12, %logistic3A_17 : vector<512x1280xf32>
      %get3A_18 = arith.constant 0 : index
      %get3A_19 = arith.constant 0 : index
      %get3A_20 = arith.constant 0 : index
      %get3A_21 = vector.load %arg5[%get3A_18, %get3A_19, %get3A_20] : memref<1x768x1280xf32, #tpu.memory_space<vmem>>, vector<1x768x1280xf32>
      %get3A_22 = vector.shape_cast %get3A_21 : vector<1x768x1280xf32> to vector<768x1280xf32>
      %dot_general3A_23 = arith.constant dense<0.000000e+00> : vector<512x1280xf32>
      %dot_general3A_24 = tpu.matmul %get3A_6, %get3A_22, %dot_general3A_23 {dimension_numbers = #tpu.dot_dimension_numbers<[1], [0], [0], [1], [0, 0, 1, 1], [], []>, transpose_lhs_hint = false} : vector<512x768xf32>, vector<768x1280xf32>, vector<512x1280xf32> -> vector<512x1280xf32>
      %mul3A_25 = arith.mulf %mul3A, %dot_general3A_24 : vector<512x1280xf32>
      %get3A_26 = arith.constant 0 : index
      %get3A_27 = arith.constant 0 : index
      %get3A_28 = arith.constant 0 : index
      %get3A_29 = vector.load %arg6[%get3A_26, %get3A_27, %get3A_28] : memref<1x1280x768xf32, #tpu.memory_space<vmem>>, vector<1x1280x768xf32>
      %get3A_30 = vector.shape_cast %get3A_29 : vector<1x1280x768xf32> to vector<1280x768xf32>
      %dot_general3A_31 = arith.constant dense<0.000000e+00> : vector<512x768xf32>
      %dot_general3A_32 = tpu.matmul %mul3A_25, %get3A_30, %dot_general3A_31 {dimension_numbers = #tpu.dot_dimension_numbers<[1], [0], [0], [1], [0, 0, 1, 1], [], []>, transpose_lhs_hint = false} : vector<512x1280xf32>, vector<1280x768xf32>, vector<512x768xf32> -> vector<512x768xf32>
      %swap3A = arith.constant 0 : index
      %swap3A_33 = arith.constant 0 : index
      %swap3A_34 = vector.load %arg7[%swap3A, %swap3A_33] : memref<512x768xf32, #tpu.memory_space<vmem>>, vector<512x768xf32>
      tpu.vector_store %arg7[%swap3A, %swap3A_33], %dot_general3A_32 {strides = array<i32>} : memref<512x768xf32, #tpu.memory_space<vmem>>, vector<512x768xf32>,
    } else {
    }
    return
  }
  func.func @transform_0(%arg0: i32, %arg1: memref<16x1xi32, #tpu.memory_space<smem>>, %arg2: memref<16x1xi32, #tpu.memory_space<smem>>) -> (i32, i32) {
    %c0_i32 = arith.constant 0 : i32
    %c0_i32_0 = arith.constant 0 : i32
    return %arg0, %c0_i32 : i32, i32
  }
  func.func @transform_1(%arg0: i32, %arg1: memref<16x1xi32, #tpu.memory_space<smem>>, %arg2: memref<16x1xi32, #tpu.memory_space<smem>>) -> (i32, i32, i32) {
    %get3A = arith.index_cast %arg0 : i32 to index
    %get3A_0 = arith.constant 0 : index
    %get3A_1 = memref.load %arg1[%get3A, %get3A_0] : memref<16x1xi32, #tpu.memory_space<smem>>
    %c0_i32 = arith.constant 0 : i32
    %c0_i32_2 = arith.constant 0 : i32
    %c0_i32_3 = arith.constant 0 : i32
    return %get3A_1, %c0_i32, %c0_i32_2 : i32, i32, i32
  }
  func.func @transform_2(%arg0: i32, %arg1: memref<16x1xi32, #tpu.memory_space<smem>>, %arg2: memref<16x1xi32, #tpu.memory_space<smem>>) -> (i32, i32, i32) {
    %get3A = arith.index_cast %arg0 : i32 to index
    %get3A_0 = arith.constant 0 : index
    %get3A_1 = memref.load %arg1[%get3A, %get3A_0] : memref<16x1xi32, #tpu.memory_space<smem>>
    %c0_i32 = arith.constant 0 : i32
    %c0_i32_2 = arith.constant 0 : i32
    %c0_i32_3 = arith.constant 0 : i32
    return %get3A_1, %c0_i32, %c0_i32_2 : i32, i32, i32
  }
  func.func @transform_3(%arg0: i32, %arg1: memref<16x1xi32, #tpu.memory_space<smem>>, %arg2: memref<16x1xi32, #tpu.memory_space<smem>>) -> (i32, i32, i32) {
    %get3A = arith.index_cast %arg0 : i32 to index
    %get3A_0 = arith.constant 0 : index
    %get3A_1 = memref.load %arg1[%get3A, %get3A_0] : memref<16x1xi32, #tpu.memory_space<smem>>
    %c0_i32 = arith.constant 0 : i32
    %c0_i32_2 = arith.constant 0 : i32
    %c0_i32_3 = arith.constant 0 : i32
    return %get3A_1, %c0_i32, %c0_i32_2 : i32, i32, i32
  }
  func.func @transform_4(%arg0: i32, %arg1: memref<16x1xi32, #tpu.memory_space<smem>>, %arg2: memref<16x1xi32, #tpu.memory_space<smem>>) -> (i32, i32) {
    %c0_i32 = arith.constant 0 : i32
    %c0_i32_0 = arith.constant 0 : i32
    return %arg0, %c0_i32 : i32, i32
  }
}

module attributes {stable_mosaic.version = 14 : i64} {
  func.func @_shared_body(%arg0: i32, %arg1: memref<512x768xf32, #tpu.memory_space<vmem>>, %arg2: memref<768x1280xf32, #tpu.memory_space<vmem>>, %arg3: memref<768x1280xf32, #tpu.memory_space<vmem>>, %arg4: memref<1280x768xf32, #tpu.memory_space<vmem>>, %arg5: memref<512x768xf32, #tpu.memory_space<vmem>>) attributes {dimension_semantics = [#tpu.dimension_semantics<parallel>], iteration_bounds = array<i64: 4>, scalar_prefetch = 0 : i64, scratch_operands = 0 : i64, tpu.core_type = #tpu.core_type<tc>, window_params = [{transform_indices = @transform_0, window_bounds = array<i64: 512, 768>}, {pipeline_mode = #tpu.pipeline_mode<synchronous>, transform_indices = @transform_1, window_bounds = array<i64: 768, 1280>}, {pipeline_mode = #tpu.pipeline_mode<synchronous>, transform_indices = @transform_2, window_bounds = array<i64: 768, 1280>}, {pipeline_mode = #tpu.pipeline_mode<synchronous>, transform_indices = @transform_3, window_bounds = array<i64: 1280, 768>}, {transform_indices = @transform_4, window_bounds = array<i64: 512, 768>}]} {
    %get3A = arith.constant 0 : index
    %get3A_0 = arith.constant 0 : index
    %get3A_1 = vector.load %arg1[%get3A, %get3A_0] : memref<512x768xf32, #tpu.memory_space<vmem>>, vector<512x768xf32>
    %get3A_2 = arith.constant 0 : index
    %get3A_3 = arith.constant 0 : index
    %get3A_4 = vector.load %arg2[%get3A_2, %get3A_3] : memref<768x1280xf32, #tpu.memory_space<vmem>>, vector<768x1280xf32>
    %dot_general3A = arith.constant dense<0.000000e+00> : vector<512x1280xf32>
    %dot_general3A_5 = tpu.matmul %get3A_1, %get3A_4, %dot_general3A {dimension_numbers = #tpu.dot_dimension_numbers<[1], [0], [0], [1], [0, 0, 1, 1], [], []>, transpose_lhs_hint = false} : vector<512x768xf32>, vector<768x1280xf32>, vector<512x1280xf32> -> vector<512x1280xf32>
    %logistic3A = arith.negf %dot_general3A_5 : vector<512x1280xf32>
    %logistic3A_6 = math.exp %logistic3A : vector<512x1280xf32>
    %logistic3A_7 = arith.constant 1.000000e+00 : f32
    %logistic3A_8 = vector.broadcast %logistic3A_7 : f32 to vector<512x1280xf32>
    %logistic3A_9 = arith.addf %logistic3A_8, %logistic3A_6 : vector<512x1280xf32>
    %logistic3A_10 = arith.divf %logistic3A_8, %logistic3A_9 : vector<512x1280xf32>
    %mul3A = arith.mulf %dot_general3A_5, %logistic3A_10 : vector<512x1280xf32>
    %get3A_11 = arith.constant 0 : index
    %get3A_12 = arith.constant 0 : index
    %get3A_13 = vector.load %arg3[%get3A_11, %get3A_12] : memref<768x1280xf32, #tpu.memory_space<vmem>>, vector<768x1280xf32>
    %dot_general3A_14 = arith.constant dense<0.000000e+00> : vector<512x1280xf32>
    %dot_general3A_15 = tpu.matmul %get3A_1, %get3A_13, %dot_general3A_14 {dimension_numbers = #tpu.dot_dimension_numbers<[1], [0], [0], [1], [0, 0, 1, 1], [], []>, transpose_lhs_hint = false} : vector<512x768xf32>, vector<768x1280xf32>, vector<512x1280xf32> -> vector<512x1280xf32>
    %mul3A_16 = arith.mulf %mul3A, %dot_general3A_15 : vector<512x1280xf32>
    %get3A_17 = arith.constant 0 : index
    %get3A_18 = arith.constant 0 : index
    %get3A_19 = vector.load %arg4[%get3A_17, %get3A_18] : memref<1280x768xf32, #tpu.memory_space<vmem>>, vector<1280x768xf32>
    %dot_general3A_20 = arith.constant dense<0.000000e+00> : vector<512x768xf32>
    %dot_general3A_21 = tpu.matmul %mul3A_16, %get3A_19, %dot_general3A_20 {dimension_numbers = #tpu.dot_dimension_numbers<[1], [0], [0], [1], [0, 0, 1, 1], [], []>, transpose_lhs_hint = false} : vector<512x1280xf32>, vector<1280x768xf32>, vector<512x768xf32> -> vector<512x768xf32>
    %swap3A = arith.constant 0 : index
    %swap3A_22 = arith.constant 0 : index
    %swap3A_23 = vector.load %arg5[%swap3A, %swap3A_22] : memref<512x768xf32, #tpu.memory_space<vmem>>, vector<512x768xf32>
    tpu.vector_store %arg5[%swap3A, %swap3A_22], %dot_general3A_21 {strides = array<i32>} : memref<512x768xf32, #tpu.memory_space<vmem>>, vector<512x768xf32>,
    return
  }
  func.func @transform_0(%arg0: i32) -> (i32, i32) {
    %c0_i32 = arith.constant 0 : i32
    %c0_i32_0 = arith.constant 0 : i32
    return %arg0, %c0_i32 : i32, i32
  }
  func.func @transform_1(%arg0: i32) -> (i32, i32) {
    %c0_i32 = arith.constant 0 : i32
    %c0_i32_0 = arith.constant 0 : i32
    %c0_i32_1 = arith.constant 0 : i32
    return %c0_i32, %c0_i32_0 : i32, i32
  }
  func.func @transform_2(%arg0: i32) -> (i32, i32) {
    %c0_i32 = arith.constant 0 : i32
    %c0_i32_0 = arith.constant 0 : i32
    %c0_i32_1 = arith.constant 0 : i32
    return %c0_i32, %c0_i32_0 : i32, i32
  }
  func.func @transform_3(%arg0: i32) -> (i32, i32) {
    %c0_i32 = arith.constant 0 : i32
    %c0_i32_0 = arith.constant 0 : i32
    %c0_i32_1 = arith.constant 0 : i32
    return %c0_i32, %c0_i32_0 : i32, i32
  }
  func.func @transform_4(%arg0: i32) -> (i32, i32) {
    %c0_i32 = arith.constant 0 : i32
    %c0_i32_0 = arith.constant 0 : i32
    return %arg0, %c0_i32 : i32, i32
  }
}

module attributes {stable_mosaic.version = 14 : i64} {
  func.func @_route_index_body(%arg0: i32, %arg1: memref<2048x768xf32, #tpu.memory_space<vmem>>, %arg2: memref<768x8xf32, #tpu.memory_space<vmem>>, %arg3: memref<32x256xf32, #tpu.memory_space<vmem>>, %arg4: memref<1x256xf32, #tpu.memory_space<vmem>>, %arg5: memref<256x256xf32, #tpu.memory_space<vmem>>, %arg6: memref<256x8xf32, #tpu.memory_space<vmem>>, %arg7: memref<128x128xf32, #tpu.memory_space<vmem>>, %arg8: memref<8x8xf32, #tpu.memory_space<vmem>>, %arg9: memref<8x256xf32, #tpu.memory_space<vmem>>, %arg10: memref<256x32xf32, #tpu.memory_space<vmem>>, %arg11: memref<16x1xf32, #tpu.memory_space<vmem>>, %arg12: memref<128x32xi32, #tpu.memory_space<vmem>>, %arg13: memref<16x1xi32, #tpu.memory_space<vmem>>, %arg14: memref<16x1xi32, #tpu.memory_space<vmem>>, %arg15: memref<2048x1xf32, #tpu.memory_space<vmem>>, %arg16: memref<2048x1xf32, #tpu.memory_space<vmem>>) attributes {dimension_semantics = [#tpu.dimension_semantics<arbitrary>], iteration_bounds = array<i64: 1>, scalar_prefetch = 0 : i64, scratch_operands = 0 : i64, tpu.core_type = #tpu.core_type<tc>, window_params = [{pipeline_mode = #tpu.pipeline_mode<synchronous>, transform_indices = @transform_0, window_bounds = array<i64: 2048, 768>}, {pipeline_mode = #tpu.pipeline_mode<synchronous>, transform_indices = @transform_1, window_bounds = array<i64: 768, 8>}, {pipeline_mode = #tpu.pipeline_mode<synchronous>, transform_indices = @transform_2, window_bounds = array<i64: 32, 256>}, {pipeline_mode = #tpu.pipeline_mode<synchronous>, transform_indices = @transform_3, window_bounds = array<i64: 1, 256>}, {pipeline_mode = #tpu.pipeline_mode<synchronous>, transform_indices = @transform_4, window_bounds = array<i64: 256, 256>}, {pipeline_mode = #tpu.pipeline_mode<synchronous>, transform_indices = @transform_5, window_bounds = array<i64: 256, 8>}, {pipeline_mode = #tpu.pipeline_mode<synchronous>, transform_indices = @transform_6, window_bounds = array<i64: 128, 128>}, {pipeline_mode = #tpu.pipeline_mode<synchronous>, transform_indices = @transform_7, window_bounds = array<i64: 8, 8>}, {pipeline_mode = #tpu.pipeline_mode<synchronous>, transform_indices = @transform_8, window_bounds = array<i64: 8, 256>}, {pipeline_mode = #tpu.pipeline_mode<synchronous>, transform_indices = @transform_9, window_bounds = array<i64: 256, 32>}, {pipeline_mode = #tpu.pipeline_mode<synchronous>, transform_indices = @transform_10, window_bounds = array<i64: 16, 1>}, {pipeline_mode = #tpu.pipeline_mode<synchronous>, transform_indices = @transform_11, window_bounds = array<i64: 128, 32>}, {pipeline_mode = #tpu.pipeline_mode<synchronous>, transform_indices = @transform_12, window_bounds = array<i64: 16, 1>}, {pipeline_mode = #tpu.pipeline_mode<synchronous>, transform_indices = @transform_13, window_bounds = array<i64: 16, 1>}, {pipeline_mode = #tpu.pipeline_mode<synchronous>, transform_indices = @transform_14, window_bounds = array<i64: 2048, 1>}, {pipeline_mode = #tpu.pipeline_mode<synchronous>, transform_indices = @transform_15, window_bounds = array<i64: 2048, 1>}]} {
    %get3A = arith.constant 0 : index
    %get3A_0 = arith.constant 0 : index
    %get3A_1 = vector.load %arg1[%get3A, %get3A_0] : memref<2048x768xf32, #tpu.memory_space<vmem>>, vector<2048x768xf32>
    %get3A_2 = arith.constant 0 : index
    %get3A_3 = arith.constant 0 : index
    %get3A_4 = vector.load %arg2[%get3A_2, %get3A_3] : memref<768x8xf32, #tpu.memory_space<vmem>>, vector<768x8xf32>
    %dot_general3A = arith.constant dense<0.000000e+00> : vector<2048x8xf32>
    %dot_general3A_5 = tpu.matmul %get3A_1, %get3A_4, %dot_general3A {dimension_numbers = #tpu.dot_dimension_numbers<[1], [0], [0], [1], [0, 0, 1, 1], [], []>, transpose_lhs_hint = false} : vector<2048x768xf32>, vector<768x8xf32>, vector<2048x8xf32> -> vector<2048x8xf32>
    %logistic3A = arith.negf %dot_general3A_5 : vector<2048x8xf32>
    %logistic3A_6 = math.exp %logistic3A : vector<2048x8xf32>
    %logistic3A_7 = arith.constant 1.000000e+00 : f32
    %logistic3A_8 = vector.broadcast %logistic3A_7 : f32 to vector<2048x8xf32>
    %logistic3A_9 = arith.addf %logistic3A_8, %logistic3A_6 : vector<2048x8xf32>
    %logistic3A_10 = arith.divf %logistic3A_8, %logistic3A_9 : vector<2048x8xf32>
    %iota3A = tpu.iota {dimensions = array<i32: 1>} : vector<2048x8xi32>
    %reduce_max3A = arith.constant dense<0xFF800000> : vector<2048xf32>
    %reduce_max3A_11 = vector.multi_reduction <maximumf>, %logistic3A_10, %reduce_max3A [1] : vector<2048x8xf32> to vector<2048xf32>
    %broadcast_in_dim3A = vector.shape_cast %reduce_max3A_11 : vector<2048xf32> to vector<2048x1xf32>
    %eq3A = vector.broadcast %broadcast_in_dim3A : vector<2048x1xf32> to vector<2048x8xf32>
    %eq3A_12 = arith.cmpf oeq, %logistic3A_10, %eq3A : vector<2048x8xf32>
    %jit3A = arith.constant 8 : i32
    %broadcast_in_dim3A_13 = vector.broadcast %jit3A : i32 to vector<2048x8xi32>
    %select_n3A = arith.select %eq3A_12, %iota3A, %broadcast_in_dim3A_13 : vector<2048x8xi1>, vector<2048x8xi32>
    %reduce_min3A = arith.constant dense<2147483647> : vector<2048xi32>
    %reduce_min3A_14 = vector.multi_reduction <minsi>, %select_n3A, %reduce_min3A [1] : vector<2048x8xi32> to vector<2048xi32>
    %broadcast_in_dim3A_15 = vector.shape_cast %reduce_min3A_14 : vector<2048xi32> to vector<2048x1xi32>
    %eq3A_16 = vector.broadcast %broadcast_in_dim3A_15 : vector<2048x1xi32> to vector<2048x8xi32>
    %eq3A_17 = arith.cmpi eq, %iota3A, %eq3A_16 : vector<2048x8xi32>
    %jit3A_18 = arith.constant -1.000000e+00 : f32
    %broadcast_in_dim3A_19 = vector.broadcast %jit3A_18 : f32 to vector<2048x8xf32>
    %select_n3A_20 = arith.select %eq3A_17, %broadcast_in_dim3A_19, %logistic3A_10 : vector<2048x8xi1>, vector<2048x8xf32>
    %reduce_max3A_21 = arith.constant dense<0xFF800000> : vector<2048xf32>
    %reduce_max3A_22 = vector.multi_reduction <maximumf>, %select_n3A_20, %reduce_max3A_21 [1] : vector<2048x8xf32> to vector<2048xf32>
    %broadcast_in_dim3A_23 = vector.shape_cast %reduce_max3A_22 : vector<2048xf32> to vector<2048x1xf32>
    %eq3A_24 = vector.broadcast %broadcast_in_dim3A_23 : vector<2048x1xf32> to vector<2048x8xf32>
    %eq3A_25 = arith.cmpf oeq, %select_n3A_20, %eq3A_24 : vector<2048x8xf32>
    %jit3A_26 = arith.constant 8 : i32
    %broadcast_in_dim3A_27 = vector.broadcast %jit3A_26 : i32 to vector<2048x8xi32>
    %select_n3A_28 = arith.select %eq3A_25, %iota3A, %broadcast_in_dim3A_27 : vector<2048x8xi1>, vector<2048x8xi32>
    %reduce_min3A_29 = arith.constant dense<2147483647> : vector<2048xi32>
    %reduce_min3A_30 = vector.multi_reduction <minsi>, %select_n3A_28, %reduce_min3A_29 [1] : vector<2048x8xi32> to vector<2048xi32>
    %broadcast_in_dim3A_31 = vector.shape_cast %reduce_min3A_30 : vector<2048xi32> to vector<2048x1xi32>
    %add3A = arith.addf %broadcast_in_dim3A, %broadcast_in_dim3A_23 : vector<2048x1xf32>
    %div3A = arith.divf %broadcast_in_dim3A, %add3A : vector<2048x1xf32>
    %swap3A = arith.constant 0 : index
    %swap3A_32 = arith.constant 0 : index
    %swap3A_33 = vector.load %arg15[%swap3A, %swap3A_32] : memref<2048x1xf32, #tpu.memory_space<vmem>>, vector<2048x1xf32>
    tpu.vector_store %arg15[%swap3A, %swap3A_32], %div3A {strides = array<i32>} : memref<2048x1xf32, #tpu.memory_space<vmem>>, vector<2048x1xf32>,
    %div3A_34 = arith.divf %broadcast_in_dim3A_23, %add3A : vector<2048x1xf32>
    %swap3A_35 = arith.constant 0 : index
    %swap3A_36 = arith.constant 0 : index
    %swap3A_37 = vector.load %arg16[%swap3A_35, %swap3A_36] : memref<2048x1xf32, #tpu.memory_space<vmem>>, vector<2048x1xf32>
    tpu.vector_store %arg16[%swap3A_35, %swap3A_36], %div3A_34 {strides = array<i32>} : memref<2048x1xf32, #tpu.memory_space<vmem>>, vector<2048x1xf32>,
    %reshape3A = vector.shape_cast %broadcast_in_dim3A_15 : vector<2048x1xi32> to vector<64x32xi32>
    %reshape3A_38 = vector.shape_cast %broadcast_in_dim3A_31 : vector<2048x1xi32> to vector<64x32xi32>
    %concatenate3A = tpu.concatenate %reshape3A, %reshape3A_38 in 0 : vector<64x32xi32>, vector<64x32xi32> -> vector<128x32xi32>
    %convert_element_type3A = arith.sitofp %concatenate3A : vector<128x32xi32> to vector<128x32xf32>
    %get3A_39 = arith.constant 0 : index
    %get3A_40 = arith.constant 0 : index
    %get3A_41 = vector.load %arg3[%get3A_39, %get3A_40] : memref<32x256xf32, #tpu.memory_space<vmem>>, vector<32x256xf32>
    %dot_general3A_42 = arith.constant dense<0.000000e+00> : vector<128x256xf32>
    %dot_general3A_43 = tpu.matmul %convert_element_type3A, %get3A_41, %dot_general3A_42 {dimension_numbers = #tpu.dot_dimension_numbers<[1], [0], [0], [1], [0, 0, 1, 1], [], []>, precision = #tpu.contract_precision<fp32>, transpose_lhs_hint = false} : vector<128x32xf32>, vector<32x256xf32>, vector<128x256xf32> -> vector<128x256xf32>
    %get3A_44 = arith.constant 0 : index
    %get3A_45 = arith.constant 0 : index
    %get3A_46 = vector.load %arg4[%get3A_44, %get3A_45] : memref<1x256xf32, #tpu.memory_space<vmem>>, vector<1x256xf32>
    %eq3A_47 = vector.broadcast %get3A_46 : vector<1x256xf32> to vector<128x256xf32>
    %eq3A_48 = arith.cmpf oeq, %dot_general3A_43, %eq3A_47 : vector<128x256xf32>
    %convert_element_type3A_49 = arith.extui %eq3A_48 : vector<128x256xi1> to vector<128x256xi32>
    %convert_element_type3A_50 = arith.sitofp %convert_element_type3A_49 : vector<128x256xi32> to vector<128x256xf32>
    %get3A_51 = arith.constant 0 : index
    %get3A_52 = arith.constant 0 : index
    %get3A_53 = vector.load %arg5[%get3A_51, %get3A_52] : memref<256x256xf32, #tpu.memory_space<vmem>>, vector<256x256xf32>
    %dot_general3A_54 = arith.constant dense<0.000000e+00> : vector<128x256xf32>
    %dot_general3A_55 = tpu.matmul %convert_element_type3A_50, %get3A_53, %dot_general3A_54 {dimension_numbers = #tpu.dot_dimension_numbers<[1], [0], [0], [1], [0, 0, 1, 1], [], []>, precision = #tpu.contract_precision<fp32>, transpose_lhs_hint = false} : vector<128x256xf32>, vector<256x256xf32>, vector<128x256xf32> -> vector<128x256xf32>
    %get3A_56 = arith.constant 0 : index
    %get3A_57 = arith.constant 0 : index
    %get3A_58 = vector.load %arg6[%get3A_56, %get3A_57] : memref<256x8xf32, #tpu.memory_space<vmem>>, vector<256x8xf32>
    %dot_general3A_59 = arith.constant dense<0.000000e+00> : vector<128x8xf32>
    %dot_general3A_60 = tpu.matmul %convert_element_type3A_50, %get3A_58, %dot_general3A_59 {dimension_numbers = #tpu.dot_dimension_numbers<[1], [0], [0], [1], [0, 0, 1, 1], [], []>, precision = #tpu.contract_precision<fp32>, transpose_lhs_hint = false} : vector<128x256xf32>, vector<256x8xf32>, vector<128x8xf32> -> vector<128x8xf32>
    %get3A_61 = arith.constant 0 : index
    %get3A_62 = arith.constant 0 : index
    %get3A_63 = vector.load %arg7[%get3A_61, %get3A_62] : memref<128x128xf32, #tpu.memory_space<vmem>>, vector<128x128xf32>
    %dot_general3A_64 = arith.constant dense<0.000000e+00> : vector<128x8xf32>
    %dot_general3A_65 = tpu.matmul %get3A_63, %dot_general3A_60, %dot_general3A_64 {dimension_numbers = #tpu.dot_dimension_numbers<[1], [0], [0], [1], [0, 0, 1, 1], [], []>, precision = #tpu.contract_precision<fp32>, transpose_lhs_hint = false} : vector<128x128xf32>, vector<128x8xf32>, vector<128x8xf32> -> vector<128x8xf32>
    %reduce_sum3A = arith.constant dense<0.000000e+00> : vector<8xf32>
    %reduce_sum3A_66 = vector.multi_reduction <add>, %dot_general3A_60, %reduce_sum3A [0] : vector<128x8xf32> to vector<8xf32>
    %broadcast_in_dim3A_67 = vector.shape_cast %reduce_sum3A_66 : vector<8xf32> to vector<1x8xf32>
    %add3A_68 = arith.constant 5.110000e+02 : f32
    %add3A_69 = vector.broadcast %add3A_68 : f32 to vector<1x8xf32>
    %add3A_70 = arith.addf %broadcast_in_dim3A_67, %add3A_69 : vector<1x8xf32>
    %mul3A = arith.constant 0.001953125 : f32
    %mul3A_71 = vector.broadcast %mul3A : f32 to vector<1x8xf32>
    %mul3A_72 = arith.mulf %add3A_70, %mul3A_71 : vector<1x8xf32>
    %floor3A = math.floor %mul3A_72 : vector<1x8xf32>
    %mul3A_73 = arith.constant 5.120000e+02 : f32
    %mul3A_74 = vector.broadcast %mul3A_73 : f32 to vector<1x8xf32>
    %mul3A_75 = arith.mulf %floor3A, %mul3A_74 : vector<1x8xf32>
    %get3A_76 = arith.constant 0 : index
    %get3A_77 = arith.constant 0 : index
    %get3A_78 = vector.load %arg8[%get3A_76, %get3A_77] : memref<8x8xf32, #tpu.memory_space<vmem>>, vector<8x8xf32>
    %dot_general3A_79 = arith.constant dense<0.000000e+00> : vector<1x8xf32>
    %dot_general3A_80 = tpu.matmul %mul3A_75, %get3A_78, %dot_general3A_79 {dimension_numbers = #tpu.dot_dimension_numbers<[1], [0], [0], [1], [0, 0, 1, 1], [], []>, precision = #tpu.contract_precision<fp32>, transpose_lhs_hint = false} : vector<1x8xf32>, vector<8x8xf32>, vector<1x8xf32> -> vector<1x8xf32>
    %add3A_81 = vector.broadcast %dot_general3A_80 : vector<1x8xf32> to vector<128x8xf32>
    %add3A_82 = arith.addf %dot_general3A_65, %add3A_81 : vector<128x8xf32>
    %get3A_83 = arith.constant 0 : index
    %get3A_84 = arith.constant 0 : index
    %get3A_85 = vector.load %arg9[%get3A_83, %get3A_84] : memref<8x256xf32, #tpu.memory_space<vmem>>, vector<8x256xf32>
    %dot_general3A_86 = arith.constant dense<0.000000e+00> : vector<128x256xf32>
    %dot_general3A_87 = tpu.matmul %add3A_82, %get3A_85, %dot_general3A_86 {dimension_numbers = #tpu.dot_dimension_numbers<[1], [0], [0], [1], [0, 0, 1, 1], [], []>, precision = #tpu.contract_precision<fp32>, transpose_lhs_hint = false} : vector<128x8xf32>, vector<8x256xf32>, vector<128x256xf32> -> vector<128x256xf32>
    %add3A_88 = arith.addf %dot_general3A_55, %dot_general3A_87 : vector<128x256xf32>
    %mul3A_89 = arith.mulf %convert_element_type3A_50, %add3A_88 : vector<128x256xf32>
    %get3A_90 = arith.constant 0 : index
    %get3A_91 = arith.constant 0 : index
    %get3A_92 = vector.load %arg10[%get3A_90, %get3A_91] : memref<256x32xf32, #tpu.memory_space<vmem>>, vector<256x32xf32>
    %dot_general3A_93 = arith.constant dense<0.000000e+00> : vector<128x32xf32>
    %dot_general3A_94 = tpu.matmul %mul3A_89, %get3A_92, %dot_general3A_93 {dimension_numbers = #tpu.dot_dimension_numbers<[1], [0], [0], [1], [0, 0, 1, 1], [], []>, precision = #tpu.contract_precision<fp32>, transpose_lhs_hint = false} : vector<128x256xf32>, vector<256x32xf32>, vector<128x32xf32> -> vector<128x32xf32>
    %convert_element_type3A_95 = arith.fptosi %dot_general3A_94 : vector<128x32xf32> to vector<128x32xi32>
    %swap3A_96 = arith.constant 0 : index
    %swap3A_97 = arith.constant 0 : index
    %swap3A_98 = vector.load %arg12[%swap3A_96, %swap3A_97] : memref<128x32xi32, #tpu.memory_space<vmem>>, vector<128x32xi32>
    tpu.vector_store %arg12[%swap3A_96, %swap3A_97], %convert_element_type3A_95 {strides = array<i32>} : memref<128x32xi32, #tpu.memory_space<vmem>>, vector<128x32xi32>,
    %add3A_99 = arith.addf %dot_general3A_80, %mul3A_75 : vector<1x8xf32>
    %get3A_100 = arith.constant 0 : index
    %get3A_101 = arith.constant 0 : index
    %get3A_102 = vector.load %arg11[%get3A_100, %get3A_101] : memref<16x1xf32, #tpu.memory_space<vmem>>, vector<16x1xf32>
    %ge3A = vector.broadcast %get3A_102 : vector<16x1xf32> to vector<16x8xf32>
    %ge3A_103 = vector.broadcast %add3A_99 : vector<1x8xf32> to vector<16x8xf32>
    %ge3A_104 = arith.cmpf oge, %ge3A, %ge3A_103 : vector<16x8xf32>
    %convert_element_type3A_105 = arith.extui %ge3A_104 : vector<16x8xi1> to vector<16x8xi32>
    %convert_element_type3A_106 = arith.sitofp %convert_element_type3A_105 : vector<16x8xi32> to vector<16x8xf32>
    %reduce_sum3A_107 = arith.constant dense<0.000000e+00> : vector<16xf32>
    %reduce_sum3A_108 = vector.multi_reduction <add>, %convert_element_type3A_106, %reduce_sum3A_107 [1] : vector<16x8xf32> to vector<16xf32>
    %broadcast_in_dim3A_109 = vector.shape_cast %reduce_sum3A_108 : vector<16xf32> to vector<16x1xf32>
    %jit3A_110 = arith.constant 0.000000e+00 : f32
    %jit3A_111 = arith.constant 7.000000e+00 : f32
    %max3A = vector.broadcast %jit3A_110 : f32 to vector<16x1xf32>
    %max3A_112 = arith.maximumf %max3A, %broadcast_in_dim3A_109 : vector<16x1xf32>
    %min3A = vector.broadcast %jit3A_111 : f32 to vector<16x1xf32>
    %min3A_113 = arith.minimumf %min3A, %max3A_112 : vector<16x1xf32>
    %convert_element_type3A_114 = arith.fptosi %min3A_113 : vector<16x1xf32> to vector<16x1xi32>
    %swap3A_115 = arith.constant 0 : index
    %swap3A_116 = arith.constant 0 : index
    %swap3A_117 = vector.load %arg13[%swap3A_115, %swap3A_116] : memref<16x1xi32, #tpu.memory_space<vmem>>, vector<16x1xi32>
    tpu.vector_store %arg13[%swap3A_115, %swap3A_116], %convert_element_type3A_114 {strides = array<i32>} : memref<16x1xi32, #tpu.memory_space<vmem>>, vector<16x1xi32>,
    %slice3A = vector.extract_strided_slice %add3A_99 {offsets = [0, 7], sizes = [1, 1], strides = [1, 1]} : vector<1x8xf32> to vector<1x1xf32>
    %lt3A = vector.broadcast %slice3A : vector<1x1xf32> to vector<16x1xf32>
    %lt3A_118 = arith.cmpf olt, %get3A_102, %lt3A : vector<16x1xf32>
    %convert_element_type3A_119 = arith.extui %lt3A_118 : vector<16x1xi1> to vector<16x1xi32>
    %swap3A_120 = arith.constant 0 : index
    %swap3A_121 = arith.constant 0 : index
    %swap3A_122 = vector.load %arg14[%swap3A_120, %swap3A_121] : memref<16x1xi32, #tpu.memory_space<vmem>>, vector<16x1xi32>
    tpu.vector_store %arg14[%swap3A_120, %swap3A_121], %convert_element_type3A_119 {strides = array<i32>} : memref<16x1xi32, #tpu.memory_space<vmem>>, vector<16x1xi32>,
    return
  }
  func.func @transform_0(%arg0: i32) -> (i32, i32) {
    %c0_i32 = arith.constant 0 : i32
    %c0_i32_0 = arith.constant 0 : i32
    %c0_i32_1 = arith.constant 0 : i32
    return %c0_i32, %c0_i32_0 : i32, i32
  }
  func.func @transform_1(%arg0: i32) -> (i32, i32) {
    %c0_i32 = arith.constant 0 : i32
    %c0_i32_0 = arith.constant 0 : i32
    %c0_i32_1 = arith.constant 0 : i32
    return %c0_i32, %c0_i32_0 : i32, i32
  }
  func.func @transform_2(%arg0: i32) -> (i32, i32) {
    %c0_i32 = arith.constant 0 : i32
    %c0_i32_0 = arith.constant 0 : i32
    %c0_i32_1 = arith.constant 0 : i32
    return %c0_i32, %c0_i32_0 : i32, i32
  }
  func.func @transform_3(%arg0: i32) -> (i32, i32) {
    %c0_i32 = arith.constant 0 : i32
    %c0_i32_0 = arith.constant 0 : i32
    %c0_i32_1 = arith.constant 0 : i32
    return %c0_i32, %c0_i32_0 : i32, i32
  }
  func.func @transform_4(%arg0: i32) -> (i32, i32) {
    %c0_i32 = arith.constant 0 : i32
    %c0_i32_0 = arith.constant 0 : i32
    %c0_i32_1 = arith.constant 0 : i32
    return %c0_i32, %c0_i32_0 : i32, i32
  }
  func.func @transform_5(%arg0: i32) -> (i32, i32) {
    %c0_i32 = arith.constant 0 : i32
    %c0_i32_0 = arith.constant 0 : i32
    %c0_i32_1 = arith.constant 0 : i32
    return %c0_i32, %c0_i32_0 : i32, i32
  }
  func.func @transform_6(%arg0: i32) -> (i32, i32) {
    %c0_i32 = arith.constant 0 : i32
    %c0_i32_0 = arith.constant 0 : i32
    %c0_i32_1 = arith.constant 0 : i32
    return %c0_i32, %c0_i32_0 : i32, i32
  }
  func.func @transform_7(%arg0: i32) -> (i32, i32) {
    %c0_i32 = arith.constant 0 : i32
    %c0_i32_0 = arith.constant 0 : i32
    %c0_i32_1 = arith.constant 0 : i32
    return %c0_i32, %c0_i32_0 : i32, i32
  }
  func.func @transform_8(%arg0: i32) -> (i32, i32) {
    %c0_i32 = arith.constant 0 : i32
    %c0_i32_0 = arith.constant 0 : i32
    %c0_i32_1 = arith.constant 0 : i32
    return %c0_i32, %c0_i32_0 : i32, i32
  }
  func.func @transform_9(%arg0: i32) -> (i32, i32) {
    %c0_i32 = arith.constant 0 : i32
    %c0_i32_0 = arith.constant 0 : i32
    %c0_i32_1 = arith.constant 0 : i32
    return %c0_i32, %c0_i32_0 : i32, i32
  }
  func.func @transform_10(%arg0: i32) -> (i32, i32) {
    %c0_i32 = arith.constant 0 : i32
    %c0_i32_0 = arith.constant 0 : i32
    %c0_i32_1 = arith.constant 0 : i32
    return %c0_i32, %c0_i32_0 : i32, i32
  }
  func.func @transform_11(%arg0: i32) -> (i32, i32) {
    %c0_i32 = arith.constant 0 : i32
    %c0_i32_0 = arith.constant 0 : i32
    %c0_i32_1 = arith.constant 0 : i32
    return %c0_i32, %c0_i32_0 : i32, i32
  }
  func.func @transform_12(%arg0: i32) -> (i32, i32) {
    %c0_i32 = arith.constant 0 : i32
    %c0_i32_0 = arith.constant 0 : i32
    %c0_i32_1 = arith.constant 0 : i32
    return %c0_i32, %c0_i32_0 : i32, i32
  }
  func.func @transform_13(%arg0: i32) -> (i32, i32) {
    %c0_i32 = arith.constant 0 : i32
    %c0_i32_0 = arith.constant 0 : i32
    %c0_i32_1 = arith.constant 0 : i32
    return %c0_i32, %c0_i32_0 : i32, i32
  }
  func.func @transform_14(%arg0: i32) -> (i32, i32) {
    %c0_i32 = arith.constant 0 : i32
    %c0_i32_0 = arith.constant 0 : i32
    %c0_i32_1 = arith.constant 0 : i32
    return %c0_i32, %c0_i32_0 : i32, i32
  }
  func.func @transform_15(%arg0: i32) -> (i32, i32) {
    %c0_i32 = arith.constant 0 : i32
    %c0_i32_0 = arith.constant 0 : i32
    %c0_i32_1 = arith.constant 0 : i32
    return %c0_i32, %c0_i32_0 : i32, i32
  }
}

module attributes {stable_mosaic.version = 14 : i64} {
  func.func @_final_body(%arg0: i32, %arg1: memref<512x768xf32, #tpu.memory_space<vmem>>, %arg2: memref<512x768xf32, #tpu.memory_space<vmem>>, %arg3: memref<512x768xf32, #tpu.memory_space<vmem>>, %arg4: memref<512x1xf32, #tpu.memory_space<vmem>>, %arg5: memref<512x1xf32, #tpu.memory_space<vmem>>, %arg6: memref<512x768xf32, #tpu.memory_space<vmem>>) attributes {dimension_semantics = [#tpu.dimension_semantics<parallel>], iteration_bounds = array<i64: 4>, scalar_prefetch = 0 : i64, scratch_operands = 0 : i64, tpu.core_type = #tpu.core_type<tc>, window_params = [{transform_indices = @transform_0, window_bounds = array<i64: 512, 768>}, {transform_indices = @transform_1, window_bounds = array<i64: 512, 768>}, {transform_indices = @transform_2, window_bounds = array<i64: 512, 768>}, {transform_indices = @transform_3, window_bounds = array<i64: 512, 1>}, {transform_indices = @transform_4, window_bounds = array<i64: 512, 1>}, {transform_indices = @transform_5, window_bounds = array<i64: 512, 768>}]} {
    %get3A = arith.constant 0 : index
    %get3A_0 = arith.constant 0 : index
    %get3A_1 = vector.load %arg1[%get3A, %get3A_0] : memref<512x768xf32, #tpu.memory_space<vmem>>, vector<512x768xf32>
    %get3A_2 = arith.constant 0 : index
    %get3A_3 = arith.constant 0 : index
    %get3A_4 = vector.load %arg4[%get3A_2, %get3A_3] : memref<512x1xf32, #tpu.memory_space<vmem>>, vector<512x1xf32>
    %get3A_5 = arith.constant 0 : index
    %get3A_6 = arith.constant 0 : index
    %get3A_7 = vector.load %arg2[%get3A_5, %get3A_6] : memref<512x768xf32, #tpu.memory_space<vmem>>, vector<512x768xf32>
    %mul3A = vector.broadcast %get3A_4 : vector<512x1xf32> to vector<512x768xf32>
    %mul3A_8 = arith.mulf %mul3A, %get3A_7 : vector<512x768xf32>
    %add3A = arith.addf %get3A_1, %mul3A_8 : vector<512x768xf32>
    %get3A_9 = arith.constant 0 : index
    %get3A_10 = arith.constant 0 : index
    %get3A_11 = vector.load %arg5[%get3A_9, %get3A_10] : memref<512x1xf32, #tpu.memory_space<vmem>>, vector<512x1xf32>
    %get3A_12 = arith.constant 0 : index
    %get3A_13 = arith.constant 0 : index
    %get3A_14 = vector.load %arg3[%get3A_12, %get3A_13] : memref<512x768xf32, #tpu.memory_space<vmem>>, vector<512x768xf32>
    %mul3A_15 = vector.broadcast %get3A_11 : vector<512x1xf32> to vector<512x768xf32>
    %mul3A_16 = arith.mulf %mul3A_15, %get3A_14 : vector<512x768xf32>
    %add3A_17 = arith.addf %add3A, %mul3A_16 : vector<512x768xf32>
    %swap3A = arith.constant 0 : index
    %swap3A_18 = arith.constant 0 : index
    %swap3A_19 = vector.load %arg6[%swap3A, %swap3A_18] : memref<512x768xf32, #tpu.memory_space<vmem>>, vector<512x768xf32>
    tpu.vector_store %arg6[%swap3A, %swap3A_18], %add3A_17 {strides = array<i32>} : memref<512x768xf32, #tpu.memory_space<vmem>>, vector<512x768xf32>,
    return
  }
  func.func @transform_0(%arg0: i32) -> (i32, i32) {
    %c0_i32 = arith.constant 0 : i32
    %c0_i32_0 = arith.constant 0 : i32
    return %arg0, %c0_i32 : i32, i32
  }
  func.func @transform_1(%arg0: i32) -> (i32, i32) {
    %c0_i32 = arith.constant 0 : i32
    %c0_i32_0 = arith.constant 0 : i32
    return %arg0, %c0_i32 : i32, i32
  }
  func.func @transform_2(%arg0: i32) -> (i32, i32) {
    %add3A = arith.constant 4 : i32
    %add3A_0 = arith.addi %arg0, %add3A : i32
    %c0_i32 = arith.constant 0 : i32
    %c0_i32_1 = arith.constant 0 : i32
    return %add3A_0, %c0_i32 : i32, i32
  }
  func.func @transform_3(%arg0: i32) -> (i32, i32) {
    %c0_i32 = arith.constant 0 : i32
    %c0_i32_0 = arith.constant 0 : i32
    return %arg0, %c0_i32 : i32, i32
  }
  func.func @transform_4(%arg0: i32) -> (i32, i32) {
    %c0_i32 = arith.constant 0 : i32
    %c0_i32_0 = arith.constant 0 : i32
    return %arg0, %c0_i32 : i32, i32
  }
  func.func @transform_5(%arg0: i32) -> (i32, i32) {
    %c0_i32 = arith.constant 0 : i32
    %c0_i32_0 = arith.constant 0 : i32
    return %arg0, %c0_i32 : i32, i32
  }
}

</mosaic_0001>

<sc_bundles>
// kernel: kernel.11.cloned.1.call-start
scs
__scs_entry_jumppad:
0x0: {  	(pc) =	sbr.rel $0x88, $3  }
0x1: {  	(tag) =	ssettag $0x0;
	lr =	simm.s32 $0x1  }
0x2: {  	[smem:$0x3F99] =	sst lr;
	_ =	strace $0xD0000000  }
0x3: {  	_ = 	snop  }
0x4: {  	_ = 	snop  }
0x5: {  	_ = 	snop  }
0x6: {  	_ = 	snop  }
0x7: {  	_ = 	snop  }
__scs_overlays_trampoline_lowered:
0x8: {  	[smem:$0x3FA8] =	sst s0  }
0x9: {  	[smem:$0x3FA9] =	sst s1  }
0xa: {  	[smem:$0x3FAA] =	sst s2  }
0xb: {  	[smem:$0x3FAB] =	sst s3  }
0xc: {  	[smem:$0x3FAC] =	sst s4  }
0xd: {  	[smem:$0x3FAD] =	sst s5  }
0xe: {  	[smem:$0x3FAE] =	sst s6  }
0xf: {  	[smem:$0x3FAF] =	sst s7  }
0x10: {  	[smem:$0x3FB0] =	sst s8  }
0x11: {  	[smem:$0x3FB1] =	sst s9;
	s0 =	simm.s32 @!p0 $0x0  }
0x12: {  	s1 =	sld [smem:$0x3F97];
	s0 =	simm.s32 @p0 $0x1  }
0x13: {  	[smem:$0x3FB2] =	sst s0;
	s0 =	simm.s32 @!p1 $0x0  }
0x14: {  	s2 =	sld [smem:$0x3F96];
	s0 =	simm.s32 @p1 $0x1  }
0x15: {  	[smem:$0x3FB3] =	sst s0;
	s0 =	simm.s32 @!p2 $0x0  }
0x16: {  	s3 =	sld [smem:$0x3FDB];
	s0 =	simm.s32 @p2 $0x1  }
0x17: {  	s4 =	simm.s32 $0x1BF5;
	[smem:$0x3FB5] =	sst s0  }
0x18: {  	s0 =	sld [smem:$0x3F98];
	_ =	swait.ge [sflag:s4], $0x0  }
0x19: {  	s7 =	sld [smem:$0x3F99]  }
0x1a: {  	s8 =	sadd.s32 $0xFFFFE003, lr  }
0x1b: {  	s9 =	sadd.s32 $0xFFFFFEF7, lr;
	s5 =	simm.s32 $0xFFFFFFFF;
	p2 =	slt.u32 s8, $0xFFFFF086  }
0x1c: {  	p1 =	slt.u32 s9, $0xF7A;
	s5 =	simm.s32 @!p2 $0x0  }
0x1d: {  	s5 =	simm.s32 @p1 $0x1;
	p0 =	seq.s32 s7, s2  }
0x1e: {  	s7 =	smul.u32 @!p0 $0xF7A, s2;
	p2 =	seq.s32 @!p0 s5, $0x0  }
0x1f: {  	s9 =	smul.u32 $0xF7A, s1;
	s8 =	simm.s32 @!p0 $0x1BF5;
	p2 =	por !p2, p0  }
0x20: {  	[sflag:s8] =	ssyncset.s32 @!p0 $0xFFFFF086;
	s6 =	sadd.s32 @!p0 s3, s7;
	s7 =	simm.s32 @!p0 $0x108  }
0x21: {  	s3 =	sadd.s32 s3, s9;
	s6 =	sadd.s32 @!p0 $0x88, s6;
	s7 =	simm.s32 @p2 $0x1082  }
0x22: {  	[simem:s7], [sflag:s8] =	dma.local @!p0 [hbm:s6], $0xF7A  }
0x23: {  	s9 =	sor.u32 $0xD0000000, s2;
	s6 =	simm.s32 $0x108;
	_ =	swait.ge @!p0 [sflag:s8], $0x0  }
0x24: {  	s3 =	sadd.s32 $0x88, s3;
	s6 =	simm.s32 @!p1 $0x1082;
	[sflag:s4] =	ssyncset.s32 $0xFFFFF086  }
0x25: {  	[simem:s6], [sflag:s4] =	dma.local [hbm:s3], $0xF7A  }
0x26: {  	[smem:$0x3F99] =	sst s1;
	(tag) =	ssettag s2;
	_ =	strace s9  }
0x27: {  	s1 =	sld [smem:$0x3FA9]  }
0x28: {  	s2 =	sld [smem:$0x3FAA]  }
0x29: {  	s4 =	sld [smem:$0x3FAC]  }
0x2a: {  	p0 =	seq.s32 s5, $0x0;
	s5 =	sld [smem:$0x3FAD]  }
0x2b: {  	s6 =	sld [smem:$0x3FAE]  }
0x2c: {  	s7 =	sld [smem:$0x3FAF]  }
0x2d: {  	s3 =	simm.s32 $0x108;
	s8 =	sld [smem:$0x3FB0]  }
0x2e: {  	s3 =	simm.s32 @!p0 $0x1082;
	s9 =	sld [smem:$0x3FB1]  }
0x2f: {  	lr =	sadd.s32 s0, s3;
	s0 =	sld [smem:$0x3FA8]  }
0x30: {  	s3 =	sld [smem:$0x3FAB]  }
0x31: {  	[smem:$0x3FB4] =	sst s10  }
0x32: {  	s10 =	sld [smem:$0x3FB2];
	_ =	sdelay $0x3  }
0x33: {  	p0 =	seq.s32 s10, $0x1;
	s10 =	sld [smem:$0x3FB4];
	_ =	sdelay $0x3  }
0x34: {  	[smem:$0x3FB4] =	sst s10  }
0x35: {  	s10 =	sld [smem:$0x3FB3];
	_ =	sdelay $0x3  }
0x36: {  	p1 =	seq.s32 s10, $0x1;
	s10 =	sld [smem:$0x3FB4];
	_ =	sdelay $0x3  }
0x37: {  	[smem:$0x3FB4] =	sst s10  }
0x38: {  	s10 =	sld [smem:$0x3FB5]  }
0x39: {  	_ = 	snop;
	(pc) =	sbr.ind lr, $3  }
0x3a: {  	_ = 	snop  }
0x3b: {  	_ = 	snop  }
0x3c: {  	p2 =	seq.s32 s10, $0x1;
	s10 =	sld [smem:$0x3FB4]  }
0x3d: {  	_ =	shalt  }
0x3e: {  	_ =	shalt  }
0x3f: {  	_ =	shalt  }
0x40: {  	_ =	shalt  }
0x41: {  	_ =	shalt  }
0x42: {  	_ =	shalt  }
0x43: {  	_ =	shalt  }
0x44: {  	_ =	shalt  }
0x45: {  	_ =	shalt  }
0x46: {  	_ =	shalt  }
0x47: {  	_ =	shalt  }
0x48: {  	_ =	shalt  }
0x49: {  	_ =	shalt  }
0x4a: {  	_ =	shalt  }
0x4b: {  	_ =	shalt  }
0x4c: {  	_ =	shalt  }
0x4d: {  	_ =	shalt  }
0x4e: {  	_ =	shalt  }
0x4f: {  	_ =	shalt  }
0x50: {  	_ =	shalt  }
0x51: {  	_ =	shalt  }
0x52: {  	_ =	shalt  }
0x53: {  	_ =	shalt  }
0x54: {  	_ =	shalt  }
0x55: {  	_ =	shalt  }
0x56: {  	_ =	shalt  }
0x57: {  	_ =	shalt  }
0x58: {  	_ =	shalt  }
0x59: {  	_ =	shalt  }
0x5a: {  	_ =	shalt  }
0x5b: {  	_ =	shalt  }
0x5c: {  	_ =	shalt  }
0x5d: {  	_ =	shalt  }
0x5e: {  	_ =	shalt  }
0x5f: {  	_ =	shalt  }
0x60: {  	_ =	shalt  }
0x61: {  	_ =	shalt  }
0x62: {  	_ =	shalt  }
0x63: {  	_ =	shalt  }
0x64: {  	_ =	shalt  }
0x65: {  	_ =	shalt  }
0x66: {  	_ =	shalt  }
0x67: {  	_ =	shalt  }
0x68: {  	_ =	shalt  }
0x69: {  	_ =	shalt  }
0x6a: {  	_ =	shalt  }
0x6b: {  	_ =	shalt  }
0x6c: {  	_ =	shalt  }
0x6d: {  	_ =	shalt  }
0x6e: {  	_ =	shalt  }
0x6f: {  	_ =	shalt  }
0x70: {  	_ =	shalt  }
0x71: {  	_ =	shalt  }
0x72: {  	_ =	shalt  }
0x73: {  	_ =	shalt  }
0x74: {  	_ =	shalt  }
0x75: {  	_ =	shalt  }
0x76: {  	_ =	shalt  }
0x77: {  	_ =	shalt  }
0x78: {  	_ =	shalt  }
0x79: {  	_ =	shalt  }
0x7a: {  	_ =	shalt  }
0x7b: {  	_ =	shalt  }
0x7c: {  	_ =	shalt  }
0x7d: {  	_ =	shalt  }
0x7e: {  	_ =	shalt  }
0x7f: {  	_ =	shalt  }
0x80: {  	_ =	shalt  }
0x81: {  	_ =	shalt  }
0x82: {  	_ =	shalt  }
0x83: {  	_ =	shalt  }
0x84: {  	_ =	shalt  }
0x85: {  	_ =	shalt  }
0x86: {  	_ =	shalt  }
0x87: {  	_ =	shalt  }
.Lfunc_end0:
.L_simem_size_0:
called_computation.1_lowered:
.L_overlay_start_0:
0x88: {  	s2 =	sld [smem:$0x3FD9]  }
0x89: {  	s3 =	sld [smem:$0x3FFE];
	_ =	sdelay $0x1  }
0x8a: {  	s1 =	srdreg.scid  }
0x8b: {  	s0 =	sand.u32 $0x1, s1  }
0x8c: {  	s17 =	sshll.u32 s0, $0xA;
	s2 =	sadd.s32 s3, s2  }
0x8d: {  	s2 =	sadd.s32 s2, s17  }
0x8e: {  	[smem:$0x3FC0] =	sst s2  }
0x8f: {  	_ = 	snop  }
0x90: {  	s2 =	sld [smem:$0x3FD0];
	(tm) =	ssettm $0x1  }
0x91: {  	s18 =	sld [smem:$0x3FFB];
	_ =	sdelay $0x3  }
0x92: {  	_ =	strace s18  }
0x93: {  	s3 =	sld [smem:$0x3FFC];
	_ =	sdelay $0x3  }
0x94: {  	_ =	strace s3  }
0x95: {  	s3 =	sld [smem:$0x3FFD];
	_ =	sdelay $0x3  }
0x96: {  	_ =	strace s3  }
0x97: {  	_ =	strace $0x8FFFFFFF  }
0x98: {  	s19 =	sld [smem:$0x3FDB];
	_ =	sdelay $0x1  }
0x99: {  	s4 =	simm.s32 $_scs_section_size  }
0x9a: {  	s5 =	simm.s32 $_size__tile_overlayer_lowered;
	s6 =	simm.s32 $_tile_overlayer_lowered  }
0x9b: {  	s22 =	simm.s32 $0x1BFF;
	s21 =	sshll.u32 s6, $0x1;
	s3 =	sadd.s32 s4, s19  }
0x9c: {  	s7 =	simm.s32 $0x0;
	s20 =	sshll.u32 s5, $0x1;
	s5 =	sadd.s32 s21, s3  }
0x9d: {  	[timem:s7], [sflag:s22] =	dma.local [hbm:s5], s20  }
0x9e: {  	_ =	swait.ge [sflag:s22], s20  }
0x9f: {  	s4 =	ssub.s32 $0x0, s20;
	[sflag:s22] =	ssyncset.done $0x0  }
0xa0: {  	[sflag:s22] =	ssyncadd.s32 s4;
	_ =	sdelay $0x1  }
0xa1: {  	s23 =	simm.s32 $0x1B8B  }
0xa2: {  	_ =	swait.ge [sflag:s23], $0x1  }
0xa3: {  	[sflag:s23] =	ssyncset.done $0x0  }
0xa4: {  	s25 =	simm.s32 $0x1B8E;
	s24 =	sld [smem:$0x3FFE];
	[sflag:s23] =	ssyncadd.s32 $0xFFFFFFFF  }
0xa5: {  	s26 =	simm.s32 $execute0_lowered;
	[smem:$0x3FD2] =	sst s25  }
0xa6: {  	s5 =	sshll.u32 s26, $0x1;
	_ =	strace $0x80000049;
	[dreg:$0x1] =	wrdreg $0xFFFFFFFF  }
0xa7: {  	s28 =	simm.s32 $_size_execute0_lowered;
	s3 =	sadd.s32 s3, s5;
	[dreg:$0x0] =	wrdreg $0x0  }
0xa8: {  	s5 =	sshll.u32 s28, $0x1;
	[dreg:$0x2] =	wrdreg s3  }
0xa9: {  	[dreg:$0x3] =	wrdreg s5  }
0xaa: {  	[dreg:$0x4] =	wrdreg $0xC0  }
0xab: {  	_ =	task [dreg:s7], $0x5FFFF  }
0xac: {  	[dreg:$0x1] =	wrdreg $0xFFFFFFFF  }
0xad: {  	[dreg:$0x0] =	wrdreg $0x60  }
0xae: {  	[dreg:$0x2] =	wrdreg s2  }
0xaf: {  	[dreg:$0x3] =	wrdreg s24  }
0xb0: {  	[dreg:$0x4] =	wrdreg $0x9  }
0xb1: {  	_ =	task.clear_ibuf [dreg:s7], $0x5FFFF;
	_ =	strace $0x90000049  }
0xb2: {  	s29 =	simm.s32 $0x9;
	_ =	strace $0x8000004B  }
0xb3: {  	_ =	swait.ge [sflag:s29], $0x1  }
0xb4: {  	[sflag:s29] =	ssyncadd.s32 $0xFFFFFFFF  }
0xb5: {  	_ =	strace $0x9000004B  }
0xb6: {  	_ =	sfence  }
0xb7: {  	s30 =	sld [smem:$0x0];
	_ =	sdelay $0x2  }
0xb8: {  	s31 =	sshll.u32 s1, $0xD;
	s1 =	sshrl.u32 s1, $0x2  }
0xb9: {  	s3 =	sand.u32 $0x4000, s31;
	s1 =	sadd.s32 s1, s30  }
0xba: {  	s0 =	sor.u32 s3, s0;
	s1 =	sshll.u32 s1, $0x11  }
0xbb: {  	s0 =	sor.u32 s1, s0  }
0xbc: {  	s0 =	sadd.s32 $0x8F2B, s0  }
0xbd: {  	[sflag:s0] =	ssyncadd.remote.s32 $0x1  }
0xbe: {  	_ =	sfence.sel $0xFFFF  }
0xbf: {  	[dreg:$0x0] =	wrdreg $0xFFFFFFFF;
	(pc) =	sbr.abs _section_cstart, $3  }
0xc0: {  	[dreg:$0x1] =	wrdreg $0xFFFFFFFF  }
0xc1: {  	_ =	task.clear_ibuf [dreg:s7], $0x2FFFF;
	_ =	strace $0x9FFFFFFF  }
0xc2: {  	(tm) =	ssettm $0x7FFFFFFF  }
0xc3: {  	_ =	shalt  }
tec
execute0_lowered:
.L_overlay_start_1:
0x0: {  	(tag) =	ssettag $0x1  }
0x1: {  	s3 =	rddreg [dreg:$0x0]  }
0x2: {  	s0 =	rddreg [dreg:$0x1];
	s2 =	simm.s32 $0x0  }
0x3: {  	s22 =	simm.s32 $0x80;
	[smem:$0x7FF] =	sst s2  }
0x4: {  	s23 =	simm.s32 $0x900;
	_ =	strace $0x8000004A;
	[dreg:$0x7] =	wrdreg s22  }
0x5: {  	s24 =	simm.s32 $0x1100;
	[dreg:$0x8] =	wrdreg s23  }
0x6: {  	s25 =	simm.s32 $0x1900;
	[dreg:$0x9] =	wrdreg s24  }
0x7: {  	s1 =	stileid.u32;
	s26 =	simm.s32 $0x2100;
	[dreg:$0xa] =	wrdreg s25  }
0x8: {  	s5 =	sshll.u32 s1, $0x5;
	s1 =	simm.s32 $0x2900;
	[dreg:$0xb] =	wrdreg s26  }
0x9: {  	s9 =	simm.s32 $0x5100;
	[dreg:$0xc] =	wrdreg s1  }
0xa: {  	s4 =	srdreg.scid;
	s10 =	simm.s32 $0x5900;
	[dreg:$0x11] =	wrdreg s9  }
0xb: {  	s11 =	simm.s32 $0x6100;
	s12 =	simm.s32 $0x6900;
	[dreg:$0x12] =	wrdreg s10  }
0xc: {  	s13 =	simm.s32 $0x7100;
	s14 =	simm.s32 $0x7900;
	[dreg:$0x13] =	wrdreg s11  }
0xd: {  	s15 =	simm.s32 $0x8100;
	s16 =	simm.s32 $0x8900;
	[dreg:$0x14] =	wrdreg s12  }
0xe: {  	s17 =	simm.s32 $0x9100;
	s18 =	simm.s32 $0x9900;
	[dreg:$0x15] =	wrdreg s13  }
0xf: {  	s28 =	simm.s32 $0x16900;
	s29 =	simm.s32 $0x17100;
	[dreg:$0x16] =	wrdreg s14  }
0x10: {  	s30 =	simm.s32 $0x17900;
	s31 =	simm.s32 $0x2;
	[dreg:$0x17] =	wrdreg s15  }
0x11: {  	s4 =	sand.u32 $0x1, s4;
	s7 =	sadd.s32 $0x2600, s0;
	[dreg:$0x18] =	wrdreg s16  }
0x12: {  	s6 =	sshll.u32 s4, $0x4;
	s4 =	ssub.s32 $0x2, s4;
	[dreg:$0x19] =	wrdreg s17  }
0x13: {  	[dreg:$0x1a] =	wrdreg s18;
	s22 =	simm.s32 $0xB100;
	s23 =	simm.s32 $0xB900  }
0x14: {  	s24 =	simm.s32 $0xC900;
	s25 =	simm.s32 $0xD100;
	s26 =	simm.s32 $0xD900  }
0x15: {  	s9 =	simm.s32 $0xC100;
	s12 =	simm.s32 $0xF100;
	[dreg:$0x1d] =	wrdreg s22  }
0x16: {  	s13 =	simm.s32 $0xF900;
	s14 =	simm.s32 $0x10100;
	[dreg:$0x1e] =	wrdreg s23  }
0x17: {  	s15 =	simm.s32 $0x10900;
	s16 =	simm.s32 $0x11100;
	[dreg:$0x1f] =	wrdreg s24  }
0x18: {  	s17 =	simm.s32 $0x11900;
	s18 =	simm.s32 $0x12100;
	[smem:$0x7FC] =	sst s25  }
0x19: {  	s5 =	sor.u32 s6, s5;
	[smem:$0x7FD] =	sst s26;
	s22 =	simm.s32 $0x14100  }
0x1a: {  	s23 =	simm.s32 $0x14900;
	s6 =	sadd.s32 s3, s5;
	s8 =	sor.u32 $0x8, s5  }
0x1b: {  	s24 =	simm.s32 $0x15100;
	[dreg:$0x3] =	wrdreg s6;
	s3 =	sadd.s32 s3, s8  }
0x1c: {  	s5 =	smul.u32 $0x300, s5;
	s6 =	simm.s32 $0x3900;
	[dreg:$0x4] =	wrdreg s3  }
0x1d: {  	s19 =	smul.u32 $0x300, s8;
	s8 =	simm.s32 $0x4900;
	[dreg:$0xe] =	wrdreg s6  }
0x1e: {  	s25 =	simm.s32 $0x15900;
	s20 =	sadd.s32 s7, s5;
	[dreg:$0x10] =	wrdreg s8  }
0x1f: {  	s26 =	simm.s32 $0x16100;
	s5 =	simm.s32 $0x3100;
	[dreg:$0x5] =	wrdreg s20  }
0x20: {  	s3 =	sadd.s32 $0xC2600, s0;
	s21 =	sadd.s32 s7, s19;
	[dreg:$0xd] =	wrdreg s5  }
0x21: {  	s8 =	simm.s32 $0x100;
	s7 =	simm.s32 $0x4100;
	[dreg:$0x6] =	wrdreg s21  }
0x22: {  	s19 =	sshrl.u32 s4, $0x1;
	s20 =	simm.s32 $0xA100;
	[dreg:$0xf] =	wrdreg s7  }
0x23: {  	s5 =	sadd.s32 $0xC2800, s0;
	s6 =	ssub.s32 s4, s19;
	[dreg:$0x1b] =	wrdreg s20  }
0x24: {  	v2 =	vlaneseq.u32;
	s21 =	simm.s32 $0xA900;
	s4 =	sadd.s32 $0xC2700, s0;
	s7 =	simm.s32 $0x1  }
0x25: {  	vm0 =	vmmov $0xffff;
	v1 =	vshrl.u32 v2, $0x3;
	s19 =	simm.s32 $0x12900;
	s20 =	simm.s32 $0x13100;
	s0 =	simm.s32 $0x3  }
0x26: {  	v0 =	vand.u32 $0x7, v2;
	v2 =	vor.u32 $0x8, v2;
	v1 =	vmul.u32 $0x8, v1;
	[dreg:$0x1c] =	wrdreg s21;
	s6 =	smax.u32 s6, $0x1;
	s21 =	simm.s32 $0x13900  }
.LBB2_1:
0x27: {  	s1 =	rddreg [dreg:$0x3]  }
0x28: {  	s10 =	rddreg [dreg:$0x4]  }
0x29: {  	[tilespmem:s2], [sflag:$0x1] =	stream.linear.gather [hbm4b:s1+s2], $0x40, $0x38;
	[tilespmem:$0x18100] =	vst v63  }
0x2a: {  	s11 =	rddreg [dreg:$0x7]  }
0x2b: {  	[tilespmem:s11], [sflag:$0x1] =	stream.linear.gather [hbm4b:s10+s2], $0x40, $0x38;
	[tilespmem:$0x18100] =	vst v63  }
0x2c: {  	_ =	swait.ge [sflag:s7], $0x40  }
0x2d: {  	[sflag:s7] =	ssyncset.done $0x0  }
0x2e: {  	[sflag:s7] =	ssyncadd.s32 $0xFFFFFFC0  }
0x2f: {  	v3 =	vld [tilespmem:$0x0];
	_ =	sdelay $0x4  }
0x30: {  	v4 =	vshrl.u32 v3, $0x3  }
0x31: {  	v4 =	vmul.u32 $0x30, v4  }
0x32: {  	v3 =	vand.u32 $0x7, v3  }
0x33: {  	v3 =	vor.u32 v3, v4  }
0x34: {  	v4 =	vperm.xlane v3, v0;
	_ =	sdelay $0x1  }
0x35: {  	v4 =	vadd.s32 v1, v4;
	_ =	sdelay $0x3  }
0x36: {  	v3 =	vperm.xlane v3, v2  }
0x37: {  	[tilespmem:s8], [sflag:$0x2] =	stream.indirect_vreg.gather [hbm4b:s3+s2], $0x80, v4, vm0, $0xb8;
	[tilespmem:$0x18100] =	vst v63  }
0x38: {  	s11 =	rddreg [dreg:$0x8];
	v3 =	vadd.s32 v1, v3  }
0x39: {  	[tilespmem:s11], [sflag:$0x2] =	stream.indirect_vreg.gather [hbm4b:s4+s2], $0x80, v4, vm0, $0xb8;
	[tilespmem:$0x18100] =	vst v63  }
0x3a: {  	s10 =	rddreg [dreg:$0x9]  }
0x3b: {  	[tilespmem:s10], [sflag:$0x2] =	stream.indirect_vreg.gather [hbm4b:s5+s2], $0x80, v4, vm0, $0xb8;
	[tilespmem:$0x18100] =	vst v63  }
0x3c: {  	s11 =	rddreg [dreg:$0xa]  }
0x3d: {  	[tilespmem:s11], [sflag:$0x2] =	stream.indirect_vreg.gather [hbm4b:s3+s2], $0x80, v3, vm0, $0xb8;
	[tilespmem:$0x18100] =	vst v63  }
0x3e: {  	s10 =	rddreg [dreg:$0xb]  }
0x3f: {  	[tilespmem:s10], [sflag:$0x2] =	stream.indirect_vreg.gather [hbm4b:s4+s2], $0x80, v3, vm0, $0xb8;
	[tilespmem:$0x18100] =	vst v63  }
0x40: {  	s11 =	rddreg [dreg:$0xc]  }
0x41: {  	[tilespmem:s11], [sflag:$0x2] =	stream.indirect_vreg.gather [hbm4b:s5+s2], $0x80, v3, vm0, $0xb8;
	[tilespmem:$0x18100] =	vst v63  }
0x42: {  	v3 =	vld [tilespmem:$0x10];
	_ =	sdelay $0x4  }
0x43: {  	v57 =	vshrl.u32 v3, $0x3  }
0x44: {  	v4 =	vmul.u32 $0x30, v57  }
0x45: {  	v3 =	vand.u32 $0x7, v3  }
0x46: {  	v3 =	vor.u32 v3, v4  }
0x47: {  	v4 =	vperm.xlane v3, v0;
	_ =	sdelay $0x1  }
0x48: {  	v4 =	vadd.s32 v1, v4;
	_ =	sdelay $0x3  }
0x49: {  	s10 =	rddreg [dreg:$0xd];
	v3 =	vperm.xlane v3, v2  }
0x4a: {  	[tilespmem:s10], [sflag:$0x2] =	stream.indirect_vreg.gather [hbm4b:s3+s2], $0x80, v4, vm0, $0xb8;
	[tilespmem:$0x18100] =	vst v63  }
0x4b: {  	s11 =	rddreg [dreg:$0xe];
	v3 =	vadd.s32 v1, v3  }
0x4c: {  	[tilespmem:s11], [sflag:$0x2] =	stream.indirect_vreg.gather [hbm4b:s4+s2], $0x80, v4, vm0, $0xb8;
	[tilespmem:$0x18100] =	vst v63  }
0x4d: {  	s1 =	rddreg [dreg:$0xf]  }
0x4e: {  	[tilespmem:s1], [sflag:$0x2] =	stream.indirect_vreg.gather [hbm4b:s5+s2], $0x80, v4, vm0, $0xb8;
	[tilespmem:$0x18100] =	vst v63  }
0x4f: {  	s11 =	rddreg [dreg:$0x10]  }
0x50: {  	[tilespmem:s11], [sflag:$0x2] =	stream.indirect_vreg.gather [hbm4b:s3+s2], $0x80, v3, vm0, $0xb8;
	[tilespmem:$0x18100] =	vst v63  }
0x51: {  	s1 =	rddreg [dreg:$0x11]  }
0x52: {  	[tilespmem:s1], [sflag:$0x2] =	stream.indirect_vreg.gather [hbm4b:s4+s2], $0x80, v3, vm0, $0xb8;
	[tilespmem:$0x18100] =	vst v63  }
0x53: {  	s11 =	rddreg [dreg:$0x12]  }
0x54: {  	[tilespmem:s11], [sflag:$0x2] =	stream.indirect_vreg.gather [hbm4b:s5+s2], $0x80, v3, vm0, $0xb8;
	[tilespmem:$0x18100] =	vst v63  }
0x55: {  	v3 =	vld [tilespmem:$0x20];
	_ =	sdelay $0x4  }
0x56: {  	v58 =	vshrl.u32 v3, $0x3  }
0x57: {  	v4 =	vmul.u32 $0x30, v58  }
0x58: {  	v3 =	vand.u32 $0x7, v3  }
0x59: {  	v3 =	vor.u32 v3, v4  }
0x5a: {  	v4 =	vperm.xlane v3, v0;
	_ =	sdelay $0x1  }
0x5b: {  	v4 =	vadd.s32 v1, v4;
	_ =	sdelay $0x3  }
0x5c: {  	s10 =	rddreg [dreg:$0x13];
	v3 =	vperm.xlane v3, v2  }
0x5d: {  	[tilespmem:s10], [sflag:$0x2] =	stream.indirect_vreg.gather [hbm4b:s3+s2], $0x80, v4, vm0, $0xb8;
	[tilespmem:$0x18100] =	vst v63  }
0x5e: {  	s11 =	rddreg [dreg:$0x14];
	v3 =	vadd.s32 v1, v3  }
0x5f: {  	[tilespmem:s11], [sflag:$0x2] =	stream.indirect_vreg.gather [hbm4b:s4+s2], $0x80, v4, vm0, $0xb8;
	[tilespmem:$0x18100] =	vst v63  }
0x60: {  	s1 =	rddreg [dreg:$0x15]  }
0x61: {  	[tilespmem:s1], [sflag:$0x2] =	stream.indirect_vreg.gather [hbm4b:s5+s2], $0x80, v4, vm0, $0xb8;
	[tilespmem:$0x18100] =	vst v63  }
0x62: {  	s11 =	rddreg [dreg:$0x16]  }
0x63: {  	[tilespmem:s11], [sflag:$0x2] =	stream.indirect_vreg.gather [hbm4b:s3+s2], $0x80, v3, vm0, $0xb8;
	[tilespmem:$0x18100] =	vst v63  }
0x64: {  	s1 =	rddreg [dreg:$0x17]  }
0x65: {  	[tilespmem:s1], [sflag:$0x2] =	stream.indirect_vreg.gather [hbm4b:s4+s2], $0x80, v3, vm0, $0xb8;
	[tilespmem:$0x18100] =	vst v63  }
0x66: {  	s11 =	rddreg [dreg:$0x18]  }
0x67: {  	[tilespmem:s11], [sflag:$0x2] =	stream.indirect_vreg.gather [hbm4b:s5+s2], $0x80, v3, vm0, $0xb8;
	[tilespmem:$0x18100] =	vst v63  }
0x68: {  	v3 =	vld [tilespmem:$0x30];
	_ =	sdelay $0x4  }
0x69: {  	v59 =	vshrl.u32 v3, $0x3  }
0x6a: {  	v4 =	vmul.u32 $0x30, v59  }
0x6b: {  	v3 =	vand.u32 $0x7, v3  }
0x6c: {  	v3 =	vor.u32 v3, v4  }
0x6d: {  	v4 =	vperm.xlane v3, v0;
	_ =	sdelay $0x1  }
0x6e: {  	v4 =	vadd.s32 v1, v4;
	_ =	sdelay $0x3  }
0x6f: {  	s10 =	rddreg [dreg:$0x19];
	v3 =	vperm.xlane v3, v2  }
0x70: {  	[tilespmem:s10], [sflag:$0x2] =	stream.indirect_vreg.gather [hbm4b:s3+s2], $0x80, v4, vm0, $0xb8;
	[tilespmem:$0x18100] =	vst v63  }
0x71: {  	s11 =	rddreg [dreg:$0x1a];
	v3 =	vadd.s32 v1, v3  }
0x72: {  	[tilespmem:s11], [sflag:$0x2] =	stream.indirect_vreg.gather [hbm4b:s4+s2], $0x80, v4, vm0, $0xb8;
	[tilespmem:$0x18100] =	vst v63  }
0x73: {  	s1 =	rddreg [dreg:$0x1b]  }
0x74: {  	[tilespmem:s1], [sflag:$0x2] =	stream.indirect_vreg.gather [hbm4b:s5+s2], $0x80, v4, vm0, $0xb8;
	[tilespmem:$0x18100] =	vst v63  }
0x75: {  	s11 =	rddreg [dreg:$0x1c]  }
0x76: {  	[tilespmem:s11], [sflag:$0x2] =	stream.indirect_vreg.gather [hbm4b:s3+s2], $0x80, v3, vm0, $0xb8;
	[tilespmem:$0x18100] =	vst v63  }
0x77: {  	s1 =	rddreg [dreg:$0x1d]  }
0x78: {  	[tilespmem:s1], [sflag:$0x2] =	stream.indirect_vreg.gather [hbm4b:s4+s2], $0x80, v3, vm0, $0xb8;
	[tilespmem:$0x18100] =	vst v63  }
0x79: {  	s11 =	rddreg [dreg:$0x1e]  }
0x7a: {  	[tilespmem:s11], [sflag:$0x2] =	stream.indirect_vreg.gather [hbm4b:s5+s2], $0x80, v3, vm0, $0xb8;
	[tilespmem:$0x18100] =	vst v63  }
0x7b: {  	_ =	swait.ge [sflag:s7], $0x40  }
0x7c: {  	[sflag:s7] =	ssyncset.done $0x0  }
0x7d: {  	[sflag:s7] =	ssyncadd.s32 $0xFFFFFFC0  }
0x7e: {  	v3 =	vld [tilespmem:$0x80];
	_ =	sdelay $0x4  }
0x7f: {  	v60 =	vshrl.u32 v3, $0x3  }
0x80: {  	v4 =	vmul.u32 $0x30, v60  }
0x81: {  	v3 =	vand.u32 $0x7, v3  }
0x82: {  	v3 =	vor.u32 v3, v4  }
0x83: {  	v4 =	vperm.xlane v3, v0;
	_ =	sdelay $0x1  }
0x84: {  	v4 =	vadd.s32 v1, v4;
	_ =	sdelay $0x3  }
0x85: {  	s11 =	rddreg [dreg:$0x1f];
	v3 =	vperm.xlane v3, v2  }
0x86: {  	[tilespmem:s9], [sflag:$0x2] =	stream.indirect_vreg.gather [hbm4b:s3+s2], $0x80, v4, vm0, $0xb8;
	[tilespmem:$0x18100] =	vst v63  }
0x87: {  	s10 =	sld [smem:$0x7FC];
	v3 =	vadd.s32 v1, v3  }
0x88: {  	[tilespmem:s11], [sflag:$0x2] =	stream.indirect_vreg.gather [hbm4b:s4+s2], $0x80, v4, vm0, $0xb8;
	[tilespmem:$0x18100] =	vst v63  }
0x89: {  	s11 =	sld [smem:$0x7FD]  }
0x8a: {  	[tilespmem:s10], [sflag:$0x2] =	stream.indirect_vreg.gather [hbm4b:s5+s2], $0x80, v4, vm0, $0xb8;
	[tilespmem:$0x18100] =	vst v63  }
0x8b: {  	_ = 	snop  }
0x8c: {  	[tilespmem:s11], [sflag:$0x2] =	stream.indirect_vreg.gather [hbm4b:s3+s2], $0x80, v3, vm0, $0xb8;
	[tilespmem:$0x18100] =	vst v63  }
0x8d: {  	s10 =	simm.s32 $0xE100  }
0x8e: {  	[tilespmem:s10], [sflag:$0x2] =	stream.indirect_vreg.gather [hbm4b:s4+s2], $0x80, v3, vm0, $0xb8;
	[tilespmem:$0x18100] =	vst v63  }
0x8f: {  	s11 =	simm.s32 $0xE900  }
0x90: {  	[tilespmem:s11], [sflag:$0x2] =	stream.indirect_vreg.gather [hbm4b:s5+s2], $0x80, v3, vm0, $0xb8;
	[tilespmem:$0x18100] =	vst v63  }
0x91: {  	v3 =	vld [tilespmem:$0x90];
	_ =	sdelay $0x4  }
0x92: {  	v61 =	vshrl.u32 v3, $0x3  }
0x93: {  	v4 =	vmul.u32 $0x30, v61  }
0x94: {  	v3 =	vand.u32 $0x7, v3  }
0x95: {  	v3 =	vor.u32 v3, v4  }
0x96: {  	v4 =	vperm.xlane v3, v0;
	_ =	sdelay $0x1  }
0x97: {  	v4 =	vadd.s32 v1, v4;
	_ =	sdelay $0x3  }
0x98: {  	v3 =	vperm.xlane v3, v2  }
0x99: {  	[tilespmem:s12], [sflag:$0x2] =	stream.indirect_vreg.gather [hbm4b:s3+s2], $0x80, v4, vm0, $0xb8;
	[tilespmem:$0x18100] =	vst v63  }
0x9a: {  	v3 =	vadd.s32 v1, v3  }
0x9b: {  	[tilespmem:s13], [sflag:$0x2] =	stream.indirect_vreg.gather [hbm4b:s4+s2], $0x80, v4, vm0, $0xb8;
	[tilespmem:$0x18100] =	vst v63  }
0x9c: {  	_ = 	snop  }
0x9d: {  	[tilespmem:s14], [sflag:$0x2] =	stream.indirect_vreg.gather [hbm4b:s5+s2], $0x80, v4, vm0, $0xb8;
	[tilespmem:$0x18100] =	vst v63  }
0x9e: {  	_ = 	snop  }
0x9f: {  	[tilespmem:s15], [sflag:$0x2] =	stream.indirect_vreg.gather [hbm4b:s3+s2], $0x80, v3, vm0, $0xb8;
	[tilespmem:$0x18100] =	vst v63  }
0xa0: {  	_ = 	snop  }
0xa1: {  	[tilespmem:s16], [sflag:$0x2] =	stream.indirect_vreg.gather [hbm4b:s4+s2], $0x80, v3, vm0, $0xb8;
	[tilespmem:$0x18100] =	vst v63  }
0xa2: {  	_ = 	snop  }
0xa3: {  	[tilespmem:s17], [sflag:$0x2] =	stream.indirect_vreg.gather [hbm4b:s5+s2], $0x80, v3, vm0, $0xb8;
	[tilespmem:$0x18100] =	vst v63  }
0xa4: {  	v3 =	vld [tilespmem:$0xA0];
	_ =	sdelay $0x4  }
0xa5: {  	v62 =	vshrl.u32 v3, $0x3  }
0xa6: {  	v4 =	vmul.u32 $0x30, v62  }
0xa7: {  	v3 =	vand.u32 $0x7, v3  }
0xa8: {  	v3 =	vor.u32 v3, v4  }
0xa9: {  	v4 =	vperm.xlane v3, v0;
	_ =	sdelay $0x1  }
0xaa: {  	v4 =	vadd.s32 v1, v4;
	_ =	sdelay $0x3  }
0xab: {  	v3 =	vperm.xlane v3, v2  }
0xac: {  	[tilespmem:s18], [sflag:$0x2] =	stream.indirect_vreg.gather [hbm4b:s3+s2], $0x80, v4, vm0, $0xb8;
	[tilespmem:$0x18100] =	vst v63  }
0xad: {  	v3 =	vadd.s32 v1, v3  }
0xae: {  	[tilespmem:s19], [sflag:$0x2] =	stream.indirect_vreg.gather [hbm4b:s4+s2], $0x80, v4, vm0, $0xb8;
	[tilespmem:$0x18100] =	vst v63  }
0xaf: {  	_ = 	snop  }
0xb0: {  	[tilespmem:s20], [sflag:$0x2] =	stream.indirect_vreg.gather [hbm4b:s5+s2], $0x80, v4, vm0, $0xb8;
	[tilespmem:$0x18100] =	vst v63  }
0xb1: {  	_ = 	snop  }
0xb2: {  	[tilespmem:s21], [sflag:$0x2] =	stream.indirect_vreg.gather [hbm4b:s3+s2], $0x80, v3, vm0, $0xb8;
	[tilespmem:$0x18100] =	vst v63  }
0xb3: {  	_ = 	snop  }
0xb4: {  	[tilespmem:s22], [sflag:$0x2] =	stream.indirect_vreg.gather [hbm4b:s4+s2], $0x80, v3, vm0, $0xb8;
	[tilespmem:$0x18100] =	vst v63  }
0xb5: {  	_ = 	snop  }
0xb6: {  	[tilespmem:s23], [sflag:$0x2] =	stream.indirect_vreg.gather [hbm4b:s5+s2], $0x80, v3, vm0, $0xb8;
	[tilespmem:$0x18100] =	vst v63  }
0xb7: {  	v3 =	vld [tilespmem:$0xB0];
	_ =	sdelay $0x4  }
0xb8: {  	v63 =	vshrl.u32 v3, $0x3  }
0xb9: {  	v4 =	vmul.u32 $0x30, v63  }
0xba: {  	v3 =	vand.u32 $0x7, v3  }
0xbb: {  	v3 =	vor.u32 v3, v4  }
0xbc: {  	v4 =	vperm.xlane v3, v0;
	_ =	sdelay $0x1  }
0xbd: {  	v4 =	vadd.s32 v1, v4;
	_ =	sdelay $0x3  }
0xbe: {  	v3 =	vperm.xlane v3, v2  }
0xbf: {  	[tilespmem:s24], [sflag:$0x2] =	stream.indirect_vreg.gather [hbm4b:s3+s2], $0x80, v4, vm0, $0xb8;
	[tilespmem:$0x18100] =	vst v63  }
0xc0: {  	v3 =	vadd.s32 v1, v3  }
0xc1: {  	[tilespmem:s25], [sflag:$0x2] =	stream.indirect_vreg.gather [hbm4b:s4+s2], $0x80, v4, vm0, $0xb8;
	[tilespmem:$0x18100] =	vst v63  }
0xc2: {  	_ = 	snop  }
0xc3: {  	[tilespmem:s26], [sflag:$0x2] =	stream.indirect_vreg.gather [hbm4b:s5+s2], $0x80, v4, vm0, $0xb8;
	[tilespmem:$0x18100] =	vst v63  }
0xc4: {  	_ = 	snop  }
0xc5: {  	[tilespmem:s28], [sflag:$0x2] =	stream.indirect_vreg.gather [hbm4b:s3+s2], $0x80, v3, vm0, $0xb8;
	[tilespmem:$0x18100] =	vst v63  }
0xc6: {  	_ = 	snop  }
0xc7: {  	[tilespmem:s29], [sflag:$0x2] =	stream.indirect_vreg.gather [hbm4b:s4+s2], $0x80, v3, vm0, $0xb8;
	[tilespmem:$0x18100] =	vst v63  }
0xc8: {  	_ = 	snop  }
0xc9: {  	[tilespmem:s30], [sflag:$0x2] =	stream.indirect_vreg.gather [hbm4b:s5+s2], $0x80, v3, vm0, $0xb8;
	[tilespmem:$0x18100] =	vst v63  }
0xca: {  	_ =	swait.ge [sflag:s31], $0xC000  }
0xcb: {  	[sflag:s31] =	ssyncset.done $0x0  }
0xcc: {  	s10 =	rddreg [dreg:$0x5];
	[sflag:s31] =	ssyncadd.s32 $0xFFFF4000  }
0xcd: {  	[hbm4b:s10+s2] =	stream.linear.scatter [tilespmem:s8], [sflag:$0x3], $0xC000, $0x38;
	[tilespmem:$0x18100] =	vst v63  }
0xce: {  	_ =	swait.ge [sflag:s31], $0xC000  }
0xcf: {  	[sflag:s31] =	ssyncset.done $0x0  }
0xd0: {  	s11 =	rddreg [dreg:$0x6];
	[sflag:s31] =	ssyncadd.s32 $0xFFFF4000  }
0xd1: {  	[hbm4b:s11+s2] =	stream.linear.scatter [tilespmem:s9], [sflag:$0x3], $0xC000, $0x38;
	[tilespmem:$0x18100] =	vst v63  }
0xd2: {  	p0 =	sne.s32 s6, $0x1;
	_ =	swait.ge [sflag:s0], $0xC000  }
.Ltmp0:
0xd3: {  	[sflag:s0] =	ssyncset.done $0x0;
	(pc) =	sbr.rel @p0 .LBB2_1-.Ltmp0, $4  }
0xd4: {  	[sflag:s0] =	ssyncadd.s32 $0xFFFF4000  }
0xd5: {  	_ =	swait.ge [sflag:s0], $0xC000  }
0xd6: {  	[sflag:s0] =	ssyncset.done $0x0  }
0xd7: {  	s6 =	sadd.s32 $0xFFFFFFFF, s6;
	[sflag:s0] =	ssyncadd.s32 $0xFFFF4000  }
0xd8: {  	_ =	sfence.sel $0x180000  }
0xd9: {  	[bflag:$0x0] =	sbarrier.arrive $0xFFFF  }
0xda: {  	_ =	strace $0x9000004A  }
0xdb: {  	s0 =	stileid.u32;
	[bflag:$0x2] =	sbarrier.arrive $0xFFFF  }
0xdc: {  	p0 =	sne.s32 s0, $0x0;
	s0 =	rddreg [dreg:$0x2]  }
0xdd: {  	s0 =	sadd.s32 @!p0 $0x100000, s0  }
0xde: {  	[sflag:s0] =	ssyncadd.tile.s32 @!p0 $0x1;
	_ =	shalt  }
.Lfunc_end2:
_tile_overlayer_lowered:
.L_overlay_start_2:
0xdf: {  	(tag) =	ssettag $0x2  }
0xe0: {  	s0 =	rddreg [dreg:$0x0];
	s2 =	stileid.u32  }
0xe1: {  	s1 =	rddreg [dreg:$0x1];
	p0 =	sne.s32 s2, $0x0  }
0xe2: {  	s3 =	rddreg [dreg:$0x2];
	[bflag:$0x3] =	sbarrier.arrive $0xFFFF;
	s2 =	simm.s32 @!p0 $0x1C04  }
0xe3: {  	[timem:s3], [sflag:s2] =	dma.local @!p0 [hbm:s0], s1  }
0xe4: {  	s0 =	simm.s32 @!p0 $0x4  }
0xe5: {  	_ =	swait.ge @!p0 [sflag:s0], s1  }
0xe6: {  	s1 =	ssub.s32 @!p0 $0x0, s1;
	[sflag:s0] =	ssyncset.done @!p0 $0x0  }
0xe7: {  	[sflag:s0] =	ssyncadd.s32 @!p0 s1  }
0xe8: {  	[bflag:$0x3] =	sbarrier.arrive $0xFFFF  }
0xe9: {  	_ =	shalt  }

// kernel: kernel.8.cloned.1.call-start
scs
__scs_entry_jumppad:
0x0: {  	(pc) =	sbr.rel $0x88, $3  }
0x1: {  	(tag) =	ssettag $0x0;
	lr =	simm.s32 $0x1  }
0x2: {  	[smem:$0x3F99] =	sst lr;
	_ =	strace $0xD0000000  }
0x3: {  	_ = 	snop  }
0x4: {  	_ = 	snop  }
0x5: {  	_ = 	snop  }
0x6: {  	_ = 	snop  }
0x7: {  	_ = 	snop  }
__scs_overlays_trampoline_lowered:
0x8: {  	[smem:$0x3FA8] =	sst s0  }
0x9: {  	[smem:$0x3FA9] =	sst s1  }
0xa: {  	[smem:$0x3FAA] =	sst s2  }
0xb: {  	[smem:$0x3FAB] =	sst s3  }
0xc: {  	[smem:$0x3FAC] =	sst s4  }
0xd: {  	[smem:$0x3FAD] =	sst s5  }
0xe: {  	[smem:$0x3FAE] =	sst s6  }
0xf: {  	[smem:$0x3FAF] =	sst s7  }
0x10: {  	[smem:$0x3FB0] =	sst s8  }
0x11: {  	[smem:$0x3FB1] =	sst s9;
	s0 =	simm.s32 @!p0 $0x0  }
0x12: {  	s1 =	sld [smem:$0x3F97];
	s0 =	simm.s32 @p0 $0x1  }
0x13: {  	[smem:$0x3FB2] =	sst s0;
	s0 =	simm.s32 @!p1 $0x0  }
0x14: {  	s2 =	sld [smem:$0x3F96];
	s0 =	simm.s32 @p1 $0x1  }
0x15: {  	[smem:$0x3FB3] =	sst s0;
	s0 =	simm.s32 @!p2 $0x0  }
0x16: {  	s3 =	sld [smem:$0x3FDB];
	s0 =	simm.s32 @p2 $0x1  }
0x17: {  	s4 =	simm.s32 $0x1BF5;
	[smem:$0x3FB5] =	sst s0  }
0x18: {  	s0 =	sld [smem:$0x3F98];
	_ =	swait.ge [sflag:s4], $0x0  }
0x19: {  	s7 =	sld [smem:$0x3F99]  }
0x1a: {  	s8 =	sadd.s32 $0xFFFFE003, lr  }
0x1b: {  	s9 =	sadd.s32 $0xFFFFFEF7, lr;
	s5 =	simm.s32 $0xFFFFFFFF;
	p2 =	slt.u32 s8, $0xFFFFF086  }
0x1c: {  	p1 =	slt.u32 s9, $0xF7A;
	s5 =	simm.s32 @!p2 $0x0  }
0x1d: {  	s5 =	simm.s32 @p1 $0x1;
	p0 =	seq.s32 s7, s2  }
0x1e: {  	s7 =	smul.u32 @!p0 $0xF7A, s2;
	p2 =	seq.s32 @!p0 s5, $0x0  }
0x1f: {  	s9 =	smul.u32 $0xF7A, s1;
	s8 =	simm.s32 @!p0 $0x1BF5;
	p2 =	por !p2, p0  }
0x20: {  	[sflag:s8] =	ssyncset.s32 @!p0 $0xFFFFF086;
	s6 =	sadd.s32 @!p0 s3, s7;
	s7 =	simm.s32 @!p0 $0x108  }
0x21: {  	s3 =	sadd.s32 s3, s9;
	s6 =	sadd.s32 @!p0 $0x88, s6;
	s7 =	simm.s32 @p2 $0x1082  }
0x22: {  	[simem:s7], [sflag:s8] =	dma.local @!p0 [hbm:s6], $0xF7A  }
0x23: {  	s9 =	sor.u32 $0xD0000000, s2;
	s6 =	simm.s32 $0x108;
	_ =	swait.ge @!p0 [sflag:s8], $0x0  }
0x24: {  	s3 =	sadd.s32 $0x88, s3;
	s6 =	simm.s32 @!p1 $0x1082;
	[sflag:s4] =	ssyncset.s32 $0xFFFFF086  }
0x25: {  	[simem:s6], [sflag:s4] =	dma.local [hbm:s3], $0xF7A  }
0x26: {  	[smem:$0x3F99] =	sst s1;
	(tag) =	ssettag s2;
	_ =	strace s9  }
0x27: {  	s1 =	sld [smem:$0x3FA9]  }
0x28: {  	s2 =	sld [smem:$0x3FAA]  }
0x29: {  	s4 =	sld [smem:$0x3FAC]  }
0x2a: {  	p0 =	seq.s32 s5, $0x0;
	s5 =	sld [smem:$0x3FAD]  }
0x2b: {  	s6 =	sld [smem:$0x3FAE]  }
0x2c: {  	s7 =	sld [smem:$0x3FAF]  }
0x2d: {  	s3 =	simm.s32 $0x108;
	s8 =	sld [smem:$0x3FB0]  }
0x2e: {  	s3 =	simm.s32 @!p0 $0x1082;
	s9 =	sld [smem:$0x3FB1]  }
0x2f: {  	lr =	sadd.s32 s0, s3;
	s0 =	sld [smem:$0x3FA8]  }
0x30: {  	s3 =	sld [smem:$0x3FAB]  }
0x31: {  	[smem:$0x3FB4] =	sst s10  }
0x32: {  	s10 =	sld [smem:$0x3FB2];
	_ =	sdelay $0x3  }
0x33: {  	p0 =	seq.s32 s10, $0x1;
	s10 =	sld [smem:$0x3FB4];
	_ =	sdelay $0x3  }
0x34: {  	[smem:$0x3FB4] =	sst s10  }
0x35: {  	s10 =	sld [smem:$0x3FB3];
	_ =	sdelay $0x3  }
0x36: {  	p1 =	seq.s32 s10, $0x1;
	s10 =	sld [smem:$0x3FB4];
	_ =	sdelay $0x3  }
0x37: {  	[smem:$0x3FB4] =	sst s10  }
0x38: {  	s10 =	sld [smem:$0x3FB5]  }
0x39: {  	_ = 	snop;
	(pc) =	sbr.ind lr, $3  }
0x3a: {  	_ = 	snop  }
0x3b: {  	_ = 	snop  }
0x3c: {  	p2 =	seq.s32 s10, $0x1;
	s10 =	sld [smem:$0x3FB4]  }
0x3d: {  	_ =	shalt  }
0x3e: {  	_ =	shalt  }
0x3f: {  	_ =	shalt  }
0x40: {  	_ =	shalt  }
0x41: {  	_ =	shalt  }
0x42: {  	_ =	shalt  }
0x43: {  	_ =	shalt  }
0x44: {  	_ =	shalt  }
0x45: {  	_ =	shalt  }
0x46: {  	_ =	shalt  }
0x47: {  	_ =	shalt  }
0x48: {  	_ =	shalt  }
0x49: {  	_ =	shalt  }
0x4a: {  	_ =	shalt  }
0x4b: {  	_ =	shalt  }
0x4c: {  	_ =	shalt  }
0x4d: {  	_ =	shalt  }
0x4e: {  	_ =	shalt  }
0x4f: {  	_ =	shalt  }
0x50: {  	_ =	shalt  }
0x51: {  	_ =	shalt  }
0x52: {  	_ =	shalt  }
0x53: {  	_ =	shalt  }
0x54: {  	_ =	shalt  }
0x55: {  	_ =	shalt  }
0x56: {  	_ =	shalt  }
0x57: {  	_ =	shalt  }
0x58: {  	_ =	shalt  }
0x59: {  	_ =	shalt  }
0x5a: {  	_ =	shalt  }
0x5b: {  	_ =	shalt  }
0x5c: {  	_ =	shalt  }
0x5d: {  	_ =	shalt  }
0x5e: {  	_ =	shalt  }
0x5f: {  	_ =	shalt  }
0x60: {  	_ =	shalt  }
0x61: {  	_ =	shalt  }
0x62: {  	_ =	shalt  }
0x63: {  	_ =	shalt  }
0x64: {  	_ =	shalt  }
0x65: {  	_ =	shalt  }
0x66: {  	_ =	shalt  }
0x67: {  	_ =	shalt  }
0x68: {  	_ =	shalt  }
0x69: {  	_ =	shalt  }
0x6a: {  	_ =	shalt  }
0x6b: {  	_ =	shalt  }
0x6c: {  	_ =	shalt  }
0x6d: {  	_ =	shalt  }
0x6e: {  	_ =	shalt  }
0x6f: {  	_ =	shalt  }
0x70: {  	_ =	shalt  }
0x71: {  	_ =	shalt  }
0x72: {  	_ =	shalt  }
0x73: {  	_ =	shalt  }
0x74: {  	_ =	shalt  }
0x75: {  	_ =	shalt  }
0x76: {  	_ =	shalt  }
0x77: {  	_ =	shalt  }
0x78: {  	_ =	shalt  }
0x79: {  	_ =	shalt  }
0x7a: {  	_ =	shalt  }
0x7b: {  	_ =	shalt  }
0x7c: {  	_ =	shalt  }
0x7d: {  	_ =	shalt  }
0x7e: {  	_ =	shalt  }
0x7f: {  	_ =	shalt  }
0x80: {  	_ =	shalt  }
0x81: {  	_ =	shalt  }
0x82: {  	_ =	shalt  }
0x83: {  	_ =	shalt  }
0x84: {  	_ =	shalt  }
0x85: {  	_ =	shalt  }
0x86: {  	_ =	shalt  }
0x87: {  	_ =	shalt  }
.Lfunc_end0:
.L_simem_size_0:
called_computation_lowered:
.L_overlay_start_0:
0x88: {  	s2 =	sld [smem:$0x3FD9]  }
0x89: {  	s3 =	sld [smem:$0x3FFE];
	_ =	sdelay $0x1  }
0x8a: {  	s1 =	srdreg.scid  }
0x8b: {  	s0 =	sand.u32 $0x1, s1  }
0x8c: {  	s17 =	sshll.u32 s0, $0xA;
	s2 =	sadd.s32 s3, s2  }
0x8d: {  	s2 =	sadd.s32 s2, s17  }
0x8e: {  	[smem:$0x3FC0] =	sst s2  }
0x8f: {  	_ = 	snop  }
0x90: {  	s2 =	sld [smem:$0x3FC9]  }
0x91: {  	s18 =	sld [smem:$0x3FD0];
	(tm) =	ssettm $0x1  }
0x92: {  	s4 =	sld [smem:$0x3FFB];
	_ =	sdelay $0x3  }
0x93: {  	_ =	strace s4  }
0x94: {  	s4 =	sld [smem:$0x3FFC];
	_ =	sdelay $0x3  }
0x95: {  	_ =	strace s4  }
0x96: {  	s4 =	sld [smem:$0x3FFD];
	_ =	sdelay $0x3  }
0x97: {  	_ =	strace s4  }
0x98: {  	_ =	strace $0x8FFFFFFF  }
0x99: {  	s19 =	sld [smem:$0x3FDB];
	_ =	sdelay $0x1  }
0x9a: {  	s5 =	simm.s32 $_scs_section_size  }
0x9b: {  	s6 =	simm.s32 $_size__tile_overlayer_lowered;
	s7 =	simm.s32 $_tile_overlayer_lowered  }
0x9c: {  	s22 =	simm.s32 $0x1BFF;
	s21 =	sshll.u32 s7, $0x1;
	s4 =	sadd.s32 s5, s19  }
0x9d: {  	s8 =	simm.s32 $0x0;
	s20 =	sshll.u32 s6, $0x1;
	s6 =	sadd.s32 s21, s4  }
0x9e: {  	[timem:s8], [sflag:s22] =	dma.local [hbm:s6], s20  }
0x9f: {  	_ =	swait.ge [sflag:s22], s20  }
0xa0: {  	s5 =	ssub.s32 $0x0, s20;
	[sflag:s22] =	ssyncset.done $0x0  }
0xa1: {  	[sflag:s22] =	ssyncadd.s32 s5;
	_ =	sdelay $0x1  }
0xa2: {  	s23 =	simm.s32 $0x1B8B  }
0xa3: {  	_ =	swait.ge [sflag:s23], $0x1  }
0xa4: {  	[sflag:s23] =	ssyncset.done $0x0  }
0xa5: {  	s25 =	simm.s32 $0x1B8E;
	s24 =	sld [smem:$0x3FFE];
	[sflag:s23] =	ssyncadd.s32 $0xFFFFFFFF  }
0xa6: {  	s26 =	simm.s32 $execute0_lowered;
	[smem:$0x3FD2] =	sst s25  }
0xa7: {  	s6 =	sshll.u32 s26, $0x1;
	_ =	strace $0x80000046;
	[dreg:$0x1] =	wrdreg $0xFFFFFFFF  }
0xa8: {  	s28 =	simm.s32 $_size_execute0_lowered;
	s4 =	sadd.s32 s4, s6;
	[dreg:$0x0] =	wrdreg $0x0  }
0xa9: {  	s6 =	sshll.u32 s28, $0x1;
	[dreg:$0x2] =	wrdreg s4  }
0xaa: {  	[dreg:$0x3] =	wrdreg s6  }
0xab: {  	[dreg:$0x4] =	wrdreg $0xC0  }
0xac: {  	_ =	task [dreg:s8], $0x5FFFF  }
0xad: {  	[dreg:$0x1] =	wrdreg $0xFFFFFFFF  }
0xae: {  	[dreg:$0x0] =	wrdreg $0x60  }
0xaf: {  	[dreg:$0x2] =	wrdreg s18  }
0xb0: {  	[dreg:$0x3] =	wrdreg s2  }
0xb1: {  	[dreg:$0x4] =	wrdreg s24  }
0xb2: {  	[dreg:$0x5] =	wrdreg $0x9  }
0xb3: {  	_ =	task.clear_ibuf [dreg:s8], $0x6FFFF;
	_ =	strace $0x90000046  }
0xb4: {  	s29 =	simm.s32 $0x9;
	_ =	strace $0x80000048  }
0xb5: {  	_ =	swait.ge [sflag:s29], $0x1  }
0xb6: {  	[sflag:s29] =	ssyncadd.s32 $0xFFFFFFFF  }
0xb7: {  	_ =	strace $0x90000048  }
0xb8: {  	_ =	sfence  }
0xb9: {  	s30 =	sld [smem:$0x0];
	_ =	sdelay $0x2  }
0xba: {  	s31 =	sshll.u32 s1, $0xD;
	s1 =	sshrl.u32 s1, $0x2  }
0xbb: {  	s3 =	sand.u32 $0x4000, s31;
	s1 =	sadd.s32 s1, s30  }
0xbc: {  	s0 =	sor.u32 s3, s0;
	s1 =	sshll.u32 s1, $0x11  }
0xbd: {  	s0 =	sor.u32 s1, s0  }
0xbe: {  	s0 =	sadd.s32 $0x8F2B, s0  }
0xbf: {  	[sflag:s0] =	ssyncadd.remote.s32 $0x1  }
0xc0: {  	_ =	sfence.sel $0xFFFF  }
0xc1: {  	[dreg:$0x0] =	wrdreg $0xFFFFFFFF;
	(pc) =	sbr.abs _section_cstart, $3  }
0xc2: {  	[dreg:$0x1] =	wrdreg $0xFFFFFFFF  }
0xc3: {  	_ =	task.clear_ibuf [dreg:s8], $0x2FFFF;
	_ =	strace $0x9FFFFFFF  }
0xc4: {  	(tm) =	ssettm $0x7FFFFFFF  }
0xc5: {  	_ =	shalt  }
tec
execute0_lowered:
.L_overlay_start_1:
0x0: {  	(tag) =	ssettag $0x1  }
0x1: {  	s1 =	srdreg.scid  }
0x2: {  	s0 =	stileid.u32;
	s3 =	rddreg [dreg:$0x0];
	s5 =	sand.u32 $0x1, s1  }
0x3: {  	s4 =	rddreg [dreg:$0x1];
	s17 =	sshll.u32 s0, $0x5;
	s2 =	sshll.u32 s5, $0x4  }
0x4: {  	s1 =	rddreg [dreg:$0x2];
	s6 =	sor.u32 s2, s17;
	s2 =	simm.s32 $0x0  }
0x5: {  	s20 =	simm.s32 $0x80;
	[smem:$0x7FF] =	sst s2  }
0x6: {  	s21 =	simm.s32 $0x900;
	_ =	strace $0x80000047;
	[dreg:$0x7] =	wrdreg s20  }
0x7: {  	s22 =	simm.s32 $0x1100;
	[dreg:$0x8] =	wrdreg s21  }
0x8: {  	s23 =	simm.s32 $0x1900;
	[dreg:$0x9] =	wrdreg s22  }
0x9: {  	s24 =	simm.s32 $0x2100;
	[dreg:$0xa] =	wrdreg s23  }
0xa: {  	s25 =	simm.s32 $0x2900;
	[dreg:$0xb] =	wrdreg s24  }
0xb: {  	s26 =	simm.s32 $0x3100;
	[dreg:$0xc] =	wrdreg s25  }
0xc: {  	s9 =	simm.s32 $0x5900;
	s0 =	simm.s32 $0x3900;
	[dreg:$0xd] =	wrdreg s26  }
0xd: {  	s10 =	simm.s32 $0x6100;
	s11 =	simm.s32 $0x6900;
	[dreg:$0xe] =	wrdreg s0  }
0xe: {  	s12 =	simm.s32 $0x7100;
	s13 =	simm.s32 $0x7900;
	[dreg:$0x12] =	wrdreg s9  }
0xf: {  	s14 =	simm.s32 $0x8100;
	s15 =	simm.s32 $0x8900;
	[dreg:$0x13] =	wrdreg s10  }
0x10: {  	s16 =	simm.s32 $0x9100;
	s28 =	simm.s32 $0x16100;
	[dreg:$0x14] =	wrdreg s11  }
0x11: {  	s29 =	simm.s32 $0x16900;
	s30 =	simm.s32 $0x17100;
	[dreg:$0x15] =	wrdreg s12  }
0x12: {  	s31 =	simm.s32 $0x17900;
	s5 =	ssub.s32 $0x2, s5;
	[dreg:$0x16] =	wrdreg s13  }
0x13: {  	s17 =	sshrl.u32 s5, $0x1;
	s7 =	sand.u32 $0xF0, s6;
	[dreg:$0x17] =	wrdreg s14  }
0x14: {  	s3 =	sadd.s32 s3, s6;
	s8 =	smul.u32 $0x1800, s7;
	[dreg:$0x18] =	wrdreg s15  }
0x15: {  	s18 =	smul.u32 $0x300, s7;
	s19 =	sadd.s32 $0x8, s3;
	[dreg:$0x19] =	wrdreg s16  }
0x16: {  	s7 =	simm.s32 $0x4900;
	s20 =	simm.s32 $0xA900;
	[dreg:$0x4] =	wrdreg s19  }
0x17: {  	s21 =	simm.s32 $0xB100;
	s22 =	simm.s32 $0xB900;
	[dreg:$0x10] =	wrdreg s7  }
0x18: {  	s23 =	simm.s32 $0xC900;
	s9 =	simm.s32 $0xC100;
	[dreg:$0x1c] =	wrdreg s20  }
0x19: {  	s24 =	simm.s32 $0xD100;
	s10 =	simm.s32 $0x1;
	[dreg:$0x1d] =	wrdreg s21  }
0x1a: {  	s25 =	simm.s32 $0xD900;
	s11 =	simm.s32 $0x2;
	[dreg:$0x1e] =	wrdreg s22  }
0x1b: {  	s26 =	simm.s32 $0xE100;
	s14 =	simm.s32 $0xF900;
	[dreg:$0x1f] =	wrdreg s23  }
0x1c: {  	s15 =	simm.s32 $0x10100;
	s16 =	simm.s32 $0x10900;
	[smem:$0x7FB] =	sst s24  }
0x1d: {  	s7 =	ssub.s32 s5, s17;
	s19 =	simm.s32 $0xA100;
	[smem:$0x7FC] =	sst s25  }
0x1e: {  	s5 =	sadd.s32 $0x2700, s1;
	[smem:$0x7FD] =	sst s26;
	s17 =	simm.s32 $0x11100  }
0x1f: {  	s20 =	simm.s32 $0x12900;
	s21 =	simm.s32 $0x13100;
	s22 =	simm.s32 $0x13900  }
0x20: {  	s23 =	simm.s32 $0x14100;
	s24 =	simm.s32 $0x14900;
	s25 =	simm.s32 $0x15100  }
0x21: {  	s26 =	simm.s32 $0x15900;
	s8 =	sshrl.u32 s8, $0x3;
	s6 =	sadd.s32 s4, s18  }
0x22: {  	s18 =	simm.s32 $0x9900;
	[dreg:$0x1b] =	wrdreg s19;
	s7 =	smax.u32 s7, $0x1  }
0x23: {  	s19 =	simm.s32 $0x12100;
	s4 =	sadd.s32 s4, s8;
	[dreg:$0x5] =	wrdreg s6  }
0x24: {  	s6 =	simm.s32 $0x4100;
	s8 =	simm.s32 $0x5100;
	[dreg:$0x1a] =	wrdreg s18  }
0x25: {  	v2 =	vlaneseq.u32;
	s18 =	simm.s32 $0x11900;
	s4 =	sadd.s32 $0x1800, s4;
	[dreg:$0xf] =	wrdreg s6  }
0x26: {  	vm0 =	vmmov $0xffff;
	v1 =	vshrl.u32 v2, $0x3;
	[dreg:$0x11] =	wrdreg s8;
	s6 =	sadd.s32 $0x2800, s1;
	s8 =	simm.s32 $0x100  }
0x27: {  	v0 =	vand.u32 $0x7, v2;
	v2 =	vor.u32 $0x8, v2;
	v1 =	vmul.u32 $0x8, v1;
	[dreg:$0x6] =	wrdreg s4;
	s4 =	sadd.s32 $0x2600, s1;
	s1 =	simm.s32 $0x3  }
.LBB2_1:
0x28: {  	s0 =	rddreg [dreg:$0x4]  }
0x29: {  	[tilespmem:s2], [sflag:$0x1] =	stream.linear.gather [hbm4b:s3+s2], $0x40, $0x38;
	[tilespmem:$0x18100] =	vst v63  }
0x2a: {  	s12 =	rddreg [dreg:$0x7]  }
0x2b: {  	[tilespmem:s12], [sflag:$0x1] =	stream.linear.gather [hbm4b:s0+s2], $0x40, $0x38;
	[tilespmem:$0x18100] =	vst v63  }
0x2c: {  	s13 =	rddreg [dreg:$0x5]  }
0x2d: {  	[tilespmem:s8], [sflag:$0x2] =	stream.linear.gather [hbm4b:s13+s2], $0xC000, $0x38;
	[tilespmem:$0x18100] =	vst v63  }
0x2e: {  	s12 =	rddreg [dreg:$0x6]  }
0x2f: {  	[tilespmem:s9], [sflag:$0x2] =	stream.linear.gather [hbm4b:s12+s2], $0xC000, $0x38;
	[tilespmem:$0x18100] =	vst v63  }
0x30: {  	_ =	swait.ge [sflag:s10], $0x40  }
0x31: {  	[sflag:s10] =	ssyncset.done $0x0  }
0x32: {  	[sflag:s10] =	ssyncadd.s32 $0xFFFFFFC0  }
0x33: {  	_ =	swait.ge [sflag:s11], $0xC000  }
0x34: {  	[sflag:s11] =	ssyncset.done $0x0  }
0x35: {  	[sflag:s11] =	ssyncadd.s32 $0xFFFF4000  }
0x36: {  	v3 =	vld [tilespmem:$0x0];
	_ =	sdelay $0x4  }
0x37: {  	v4 =	vshrl.u32 v3, $0x3  }
0x38: {  	v4 =	vmul.u32 $0x30, v4  }
0x39: {  	v3 =	vand.u32 $0x7, v3  }
0x3a: {  	v3 =	vor.u32 v3, v4  }
0x3b: {  	v4 =	vperm.xlane v3, v0;
	_ =	sdelay $0x1  }
0x3c: {  	v4 =	vadd.s32 v1, v4;
	_ =	sdelay $0x3  }
0x3d: {  	v3 =	vperm.xlane v3, v2  }
0x3e: {  	[hbm4b:s4+s2] =	stream.indirect_vreg.scatter [tilespmem:s8], [sflag:$0x3], $0x80, v4, vm0, $0xb8;
	[tilespmem:$0x18100] =	vst v63  }
0x3f: {  	s13 =	rddreg [dreg:$0x8];
	v3 =	vadd.s32 v1, v3  }
0x40: {  	[hbm4b:s5+s2] =	stream.indirect_vreg.scatter [tilespmem:s13], [sflag:$0x3], $0x80, v4, vm0, $0xb8;
	[tilespmem:$0x18100] =	vst v63  }
0x41: {  	s12 =	rddreg [dreg:$0x9]  }
0x42: {  	[hbm4b:s6+s2] =	stream.indirect_vreg.scatter [tilespmem:s12], [sflag:$0x3], $0x80, v4, vm0, $0xb8;
	[tilespmem:$0x18100] =	vst v63  }
0x43: {  	s13 =	rddreg [dreg:$0xa]  }
0x44: {  	[hbm4b:s4+s2] =	stream.indirect_vreg.scatter [tilespmem:s13], [sflag:$0x3], $0x80, v3, vm0, $0xb8;
	[tilespmem:$0x18100] =	vst v63  }
0x45: {  	s12 =	rddreg [dreg:$0xb]  }
0x46: {  	[hbm4b:s5+s2] =	stream.indirect_vreg.scatter [tilespmem:s12], [sflag:$0x3], $0x80, v3, vm0, $0xb8;
	[tilespmem:$0x18100] =	vst v63  }
0x47: {  	s13 =	rddreg [dreg:$0xc]  }
0x48: {  	[hbm4b:s6+s2] =	stream.indirect_vreg.scatter [tilespmem:s13], [sflag:$0x3], $0x80, v3, vm0, $0xb8;
	[tilespmem:$0x18100] =	vst v63  }
0x49: {  	v3 =	vld [tilespmem:$0x10];
	_ =	sdelay $0x4  }
0x4a: {  	v57 =	vshrl.u32 v3, $0x3  }
0x4b: {  	v4 =	vmul.u32 $0x30, v57  }
0x4c: {  	v3 =	vand.u32 $0x7, v3  }
0x4d: {  	v3 =	vor.u32 v3, v4  }
0x4e: {  	v4 =	vperm.xlane v3, v0;
	_ =	sdelay $0x1  }
0x4f: {  	v4 =	vadd.s32 v1, v4;
	_ =	sdelay $0x3  }
0x50: {  	s12 =	rddreg [dreg:$0xd];
	v3 =	vperm.xlane v3, v2  }
0x51: {  	[hbm4b:s4+s2] =	stream.indirect_vreg.scatter [tilespmem:s12], [sflag:$0x3], $0x80, v4, vm0, $0xb8;
	[tilespmem:$0x18100] =	vst v63  }
0x52: {  	s13 =	rddreg [dreg:$0xe];
	v3 =	vadd.s32 v1, v3  }
0x53: {  	[hbm4b:s5+s2] =	stream.indirect_vreg.scatter [tilespmem:s13], [sflag:$0x3], $0x80, v4, vm0, $0xb8;
	[tilespmem:$0x18100] =	vst v63  }
0x54: {  	s0 =	rddreg [dreg:$0xf]  }
0x55: {  	[hbm4b:s6+s2] =	stream.indirect_vreg.scatter [tilespmem:s0], [sflag:$0x3], $0x80, v4, vm0, $0xb8;
	[tilespmem:$0x18100] =	vst v63  }
0x56: {  	s13 =	rddreg [dreg:$0x10]  }
0x57: {  	[hbm4b:s4+s2] =	stream.indirect_vreg.scatter [tilespmem:s13], [sflag:$0x3], $0x80, v3, vm0, $0xb8;
	[tilespmem:$0x18100] =	vst v63  }
0x58: {  	s0 =	rddreg [dreg:$0x11]  }
0x59: {  	[hbm4b:s5+s2] =	stream.indirect_vreg.scatter [tilespmem:s0], [sflag:$0x3], $0x80, v3, vm0, $0xb8;
	[tilespmem:$0x18100] =	vst v63  }
0x5a: {  	s13 =	rddreg [dreg:$0x12]  }
0x5b: {  	[hbm4b:s6+s2] =	stream.indirect_vreg.scatter [tilespmem:s13], [sflag:$0x3], $0x80, v3, vm0, $0xb8;
	[tilespmem:$0x18100] =	vst v63  }
0x5c: {  	v3 =	vld [tilespmem:$0x20];
	_ =	sdelay $0x4  }
0x5d: {  	v58 =	vshrl.u32 v3, $0x3  }
0x5e: {  	v4 =	vmul.u32 $0x30, v58  }
0x5f: {  	v3 =	vand.u32 $0x7, v3  }
0x60: {  	v3 =	vor.u32 v3, v4  }
0x61: {  	v4 =	vperm.xlane v3, v0;
	_ =	sdelay $0x1  }
0x62: {  	v4 =	vadd.s32 v1, v4;
	_ =	sdelay $0x3  }
0x63: {  	s12 =	rddreg [dreg:$0x13];
	v3 =	vperm.xlane v3, v2  }
0x64: {  	[hbm4b:s4+s2] =	stream.indirect_vreg.scatter [tilespmem:s12], [sflag:$0x3], $0x80, v4, vm0, $0xb8;
	[tilespmem:$0x18100] =	vst v63  }
0x65: {  	s13 =	rddreg [dreg:$0x14];
	v3 =	vadd.s32 v1, v3  }
0x66: {  	[hbm4b:s5+s2] =	stream.indirect_vreg.scatter [tilespmem:s13], [sflag:$0x3], $0x80, v4, vm0, $0xb8;
	[tilespmem:$0x18100] =	vst v63  }
0x67: {  	s0 =	rddreg [dreg:$0x15]  }
0x68: {  	[hbm4b:s6+s2] =	stream.indirect_vreg.scatter [tilespmem:s0], [sflag:$0x3], $0x80, v4, vm0, $0xb8;
	[tilespmem:$0x18100] =	vst v63  }
0x69: {  	s13 =	rddreg [dreg:$0x16]  }
0x6a: {  	[hbm4b:s4+s2] =	stream.indirect_vreg.scatter [tilespmem:s13], [sflag:$0x3], $0x80, v3, vm0, $0xb8;
	[tilespmem:$0x18100] =	vst v63  }
0x6b: {  	s0 =	rddreg [dreg:$0x17]  }
0x6c: {  	[hbm4b:s5+s2] =	stream.indirect_vreg.scatter [tilespmem:s0], [sflag:$0x3], $0x80, v3, vm0, $0xb8;
	[tilespmem:$0x18100] =	vst v63  }
0x6d: {  	s13 =	rddreg [dreg:$0x18]  }
0x6e: {  	[hbm4b:s6+s2] =	stream.indirect_vreg.scatter [tilespmem:s13], [sflag:$0x3], $0x80, v3, vm0, $0xb8;
	[tilespmem:$0x18100] =	vst v63  }
0x6f: {  	v3 =	vld [tilespmem:$0x30];
	_ =	sdelay $0x4  }
0x70: {  	v59 =	vshrl.u32 v3, $0x3  }
0x71: {  	v4 =	vmul.u32 $0x30, v59  }
0x72: {  	v3 =	vand.u32 $0x7, v3  }
0x73: {  	v3 =	vor.u32 v3, v4  }
0x74: {  	v4 =	vperm.xlane v3, v0;
	_ =	sdelay $0x1  }
0x75: {  	v4 =	vadd.s32 v1, v4;
	_ =	sdelay $0x3  }
0x76: {  	s12 =	rddreg [dreg:$0x19];
	v3 =	vperm.xlane v3, v2  }
0x77: {  	[hbm4b:s4+s2] =	stream.indirect_vreg.scatter [tilespmem:s12], [sflag:$0x3], $0x80, v4, vm0, $0xb8;
	[tilespmem:$0x18100] =	vst v63  }
0x78: {  	s13 =	rddreg [dreg:$0x1a];
	v3 =	vadd.s32 v1, v3  }
0x79: {  	[hbm4b:s5+s2] =	stream.indirect_vreg.scatter [tilespmem:s13], [sflag:$0x3], $0x80, v4, vm0, $0xb8;
	[tilespmem:$0x18100] =	vst v63  }
0x7a: {  	s0 =	rddreg [dreg:$0x1b]  }
0x7b: {  	[hbm4b:s6+s2] =	stream.indirect_vreg.scatter [tilespmem:s0], [sflag:$0x3], $0x80, v4, vm0, $0xb8;
	[tilespmem:$0x18100] =	vst v63  }
0x7c: {  	s13 =	rddreg [dreg:$0x1c]  }
0x7d: {  	[hbm4b:s4+s2] =	stream.indirect_vreg.scatter [tilespmem:s13], [sflag:$0x3], $0x80, v3, vm0, $0xb8;
	[tilespmem:$0x18100] =	vst v63  }
0x7e: {  	s0 =	rddreg [dreg:$0x1d]  }
0x7f: {  	[hbm4b:s5+s2] =	stream.indirect_vreg.scatter [tilespmem:s0], [sflag:$0x3], $0x80, v3, vm0, $0xb8;
	[tilespmem:$0x18100] =	vst v63  }
0x80: {  	s13 =	rddreg [dreg:$0x1e]  }
0x81: {  	[hbm4b:s6+s2] =	stream.indirect_vreg.scatter [tilespmem:s13], [sflag:$0x3], $0x80, v3, vm0, $0xb8;
	[tilespmem:$0x18100] =	vst v63  }
0x82: {  	_ =	swait.ge [sflag:s10], $0x40  }
0x83: {  	[sflag:s10] =	ssyncset.done $0x0  }
0x84: {  	[sflag:s10] =	ssyncadd.s32 $0xFFFFFFC0  }
0x85: {  	_ =	swait.ge [sflag:s11], $0xC000  }
0x86: {  	[sflag:s11] =	ssyncset.done $0x0  }
0x87: {  	[sflag:s11] =	ssyncadd.s32 $0xFFFF4000  }
0x88: {  	v3 =	vld [tilespmem:$0x80];
	_ =	sdelay $0x4  }
0x89: {  	v60 =	vshrl.u32 v3, $0x3  }
0x8a: {  	v4 =	vmul.u32 $0x30, v60  }
0x8b: {  	v3 =	vand.u32 $0x7, v3  }
0x8c: {  	v3 =	vor.u32 v3, v4  }
0x8d: {  	v4 =	vperm.xlane v3, v0;
	_ =	sdelay $0x1  }
0x8e: {  	v4 =	vadd.s32 v1, v4;
	_ =	sdelay $0x3  }
0x8f: {  	s12 =	rddreg [dreg:$0x1f];
	v3 =	vperm.xlane v3, v2  }
0x90: {  	[hbm4b:s4+s2] =	stream.indirect_vreg.scatter [tilespmem:s9], [sflag:$0x3], $0x80, v4, vm0, $0xb8;
	[tilespmem:$0x18100] =	vst v63  }
0x91: {  	s13 =	sld [smem:$0x7FB];
	v3 =	vadd.s32 v1, v3  }
0x92: {  	[hbm4b:s5+s2] =	stream.indirect_vreg.scatter [tilespmem:s12], [sflag:$0x3], $0x80, v4, vm0, $0xb8;
	[tilespmem:$0x18100] =	vst v63  }
0x93: {  	s0 =	sld [smem:$0x7FC]  }
0x94: {  	[hbm4b:s6+s2] =	stream.indirect_vreg.scatter [tilespmem:s13], [sflag:$0x3], $0x80, v4, vm0, $0xb8;
	[tilespmem:$0x18100] =	vst v63  }
0x95: {  	s13 =	sld [smem:$0x7FD]  }
0x96: {  	[hbm4b:s4+s2] =	stream.indirect_vreg.scatter [tilespmem:s0], [sflag:$0x3], $0x80, v3, vm0, $0xb8;
	[tilespmem:$0x18100] =	vst v63  }
0x97: {  	_ = 	snop  }
0x98: {  	[hbm4b:s5+s2] =	stream.indirect_vreg.scatter [tilespmem:s13], [sflag:$0x3], $0x80, v3, vm0, $0xb8;
	[tilespmem:$0x18100] =	vst v63  }
0x99: {  	s12 =	simm.s32 $0xE900  }
0x9a: {  	[hbm4b:s6+s2] =	stream.indirect_vreg.scatter [tilespmem:s12], [sflag:$0x3], $0x80, v3, vm0, $0xb8;
	[tilespmem:$0x18100] =	vst v63  }
0x9b: {  	v3 =	vld [tilespmem:$0x90];
	_ =	sdelay $0x4  }
0x9c: {  	v61 =	vshrl.u32 v3, $0x3  }
0x9d: {  	v4 =	vmul.u32 $0x30, v61  }
0x9e: {  	v3 =	vand.u32 $0x7, v3  }
0x9f: {  	v3 =	vor.u32 v3, v4  }
0xa0: {  	v4 =	vperm.xlane v3, v0;
	_ =	sdelay $0x1  }
0xa1: {  	v4 =	vadd.s32 v1, v4;
	_ =	sdelay $0x3  }
0xa2: {  	s13 =	simm.s32 $0xF100;
	v3 =	vperm.xlane v3, v2  }
0xa3: {  	[hbm4b:s4+s2] =	stream.indirect_vreg.scatter [tilespmem:s13], [sflag:$0x3], $0x80, v4, vm0, $0xb8;
	[tilespmem:$0x18100] =	vst v63  }
0xa4: {  	v3 =	vadd.s32 v1, v3  }
0xa5: {  	[hbm4b:s5+s2] =	stream.indirect_vreg.scatter [tilespmem:s14], [sflag:$0x3], $0x80, v4, vm0, $0xb8;
	[tilespmem:$0x18100] =	vst v63  }
0xa6: {  	_ = 	snop  }
0xa7: {  	[hbm4b:s6+s2] =	stream.indirect_vreg.scatter [tilespmem:s15], [sflag:$0x3], $0x80, v4, vm0, $0xb8;
	[tilespmem:$0x18100] =	vst v63  }
0xa8: {  	_ = 	snop  }
0xa9: {  	[hbm4b:s4+s2] =	stream.indirect_vreg.scatter [tilespmem:s16], [sflag:$0x3], $0x80, v3, vm0, $0xb8;
	[tilespmem:$0x18100] =	vst v63  }
0xaa: {  	_ = 	snop  }
0xab: {  	[hbm4b:s5+s2] =	stream.indirect_vreg.scatter [tilespmem:s17], [sflag:$0x3], $0x80, v3, vm0, $0xb8;
	[tilespmem:$0x18100] =	vst v63  }
0xac: {  	_ = 	snop  }
0xad: {  	[hbm4b:s6+s2] =	stream.indirect_vreg.scatter [tilespmem:s18], [sflag:$0x3], $0x80, v3, vm0, $0xb8;
	[tilespmem:$0x18100] =	vst v63  }
0xae: {  	v3 =	vld [tilespmem:$0xA0];
	_ =	sdelay $0x4  }
0xaf: {  	v62 =	vshrl.u32 v3, $0x3  }
0xb0: {  	v4 =	vmul.u32 $0x30, v62  }
0xb1: {  	v3 =	vand.u32 $0x7, v3  }
0xb2: {  	v3 =	vor.u32 v3, v4  }
0xb3: {  	v4 =	vperm.xlane v3, v0;
	_ =	sdelay $0x1  }
0xb4: {  	v4 =	vadd.s32 v1, v4;
	_ =	sdelay $0x3  }
0xb5: {  	v3 =	vperm.xlane v3, v2  }
0xb6: {  	[hbm4b:s4+s2] =	stream.indirect_vreg.scatter [tilespmem:s19], [sflag:$0x3], $0x80, v4, vm0, $0xb8;
	[tilespmem:$0x18100] =	vst v63  }
0xb7: {  	v3 =	vadd.s32 v1, v3  }
0xb8: {  	[hbm4b:s5+s2] =	stream.indirect_vreg.scatter [tilespmem:s20], [sflag:$0x3], $0x80, v4, vm0, $0xb8;
	[tilespmem:$0x18100] =	vst v63  }
0xb9: {  	_ = 	snop  }
0xba: {  	[hbm4b:s6+s2] =	stream.indirect_vreg.scatter [tilespmem:s21], [sflag:$0x3], $0x80, v4, vm0, $0xb8;
	[tilespmem:$0x18100] =	vst v63  }
0xbb: {  	_ = 	snop  }
0xbc: {  	[hbm4b:s4+s2] =	stream.indirect_vreg.scatter [tilespmem:s22], [sflag:$0x3], $0x80, v3, vm0, $0xb8;
	[tilespmem:$0x18100] =	vst v63  }
0xbd: {  	_ = 	snop  }
0xbe: {  	[hbm4b:s5+s2] =	stream.indirect_vreg.scatter [tilespmem:s23], [sflag:$0x3], $0x80, v3, vm0, $0xb8;
	[tilespmem:$0x18100] =	vst v63  }
0xbf: {  	_ = 	snop  }
0xc0: {  	[hbm4b:s6+s2] =	stream.indirect_vreg.scatter [tilespmem:s24], [sflag:$0x3], $0x80, v3, vm0, $0xb8;
	[tilespmem:$0x18100] =	vst v63  }
0xc1: {  	v3 =	vld [tilespmem:$0xB0];
	_ =	sdelay $0x4  }
0xc2: {  	v63 =	vshrl.u32 v3, $0x3  }
0xc3: {  	v4 =	vmul.u32 $0x30, v63  }
0xc4: {  	v3 =	vand.u32 $0x7, v3  }
0xc5: {  	v3 =	vor.u32 v3, v4  }
0xc6: {  	v4 =	vperm.xlane v3, v0;
	_ =	sdelay $0x1  }
0xc7: {  	v4 =	vadd.s32 v1, v4;
	_ =	sdelay $0x3  }
0xc8: {  	v3 =	vperm.xlane v3, v2  }
0xc9: {  	[hbm4b:s4+s2] =	stream.indirect_vreg.scatter [tilespmem:s25], [sflag:$0x3], $0x80, v4, vm0, $0xb8;
	[tilespmem:$0x18100] =	vst v63  }
0xca: {  	v3 =	vadd.s32 v1, v3  }
0xcb: {  	[hbm4b:s5+s2] =	stream.indirect_vreg.scatter [tilespmem:s26], [sflag:$0x3], $0x80, v4, vm0, $0xb8;
	[tilespmem:$0x18100] =	vst v63  }
0xcc: {  	_ = 	snop  }
0xcd: {  	[hbm4b:s6+s2] =	stream.indirect_vreg.scatter [tilespmem:s28], [sflag:$0x3], $0x80, v4, vm0, $0xb8;
	[tilespmem:$0x18100] =	vst v63  }
0xce: {  	_ = 	snop  }
0xcf: {  	[hbm4b:s4+s2] =	stream.indirect_vreg.scatter [tilespmem:s29], [sflag:$0x3], $0x80, v3, vm0, $0xb8;
	[tilespmem:$0x18100] =	vst v63  }
0xd0: {  	_ = 	snop  }
0xd1: {  	[hbm4b:s5+s2] =	stream.indirect_vreg.scatter [tilespmem:s30], [sflag:$0x3], $0x80, v3, vm0, $0xb8;
	[tilespmem:$0x18100] =	vst v63  }
0xd2: {  	_ = 	snop  }
0xd3: {  	[hbm4b:s6+s2] =	stream.indirect_vreg.scatter [tilespmem:s31], [sflag:$0x3], $0x80, v3, vm0, $0xb8;
	[tilespmem:$0x18100] =	vst v63  }
0xd4: {  	p0 =	sne.s32 s7, $0x1;
	_ =	swait.ge [sflag:s1], $0xC000  }
.Ltmp0:
0xd5: {  	[sflag:s1] =	ssyncset.done $0x0;
	(pc) =	sbr.rel @p0 .LBB2_1-.Ltmp0, $4  }
0xd6: {  	[sflag:s1] =	ssyncadd.s32 $0xFFFF4000  }
0xd7: {  	_ =	swait.ge [sflag:s1], $0xC000  }
0xd8: {  	[sflag:s1] =	ssyncset.done $0x0  }
0xd9: {  	s7 =	sadd.s32 $0xFFFFFFFF, s7;
	[sflag:s1] =	ssyncadd.s32 $0xFFFF4000  }
0xda: {  	_ =	sfence.sel $0x180000  }
0xdb: {  	[bflag:$0x0] =	sbarrier.arrive $0xFFFF  }
0xdc: {  	_ =	strace $0x90000047  }
0xdd: {  	s0 =	stileid.u32;
	[bflag:$0x2] =	sbarrier.arrive $0xFFFF  }
0xde: {  	p0 =	sne.s32 s0, $0x0;
	s0 =	rddreg [dreg:$0x3]  }
0xdf: {  	s0 =	sadd.s32 @!p0 $0x100000, s0  }
0xe0: {  	[sflag:s0] =	ssyncadd.tile.s32 @!p0 $0x1;
	_ =	shalt  }
.Lfunc_end2:
_tile_overlayer_lowered:
.L_overlay_start_2:
0xe1: {  	(tag) =	ssettag $0x2  }
0xe2: {  	s0 =	rddreg [dreg:$0x0];
	s2 =	stileid.u32  }
0xe3: {  	s1 =	rddreg [dreg:$0x1];
	p0 =	sne.s32 s2, $0x0  }
0xe4: {  	s3 =	rddreg [dreg:$0x2];
	[bflag:$0x3] =	sbarrier.arrive $0xFFFF;
	s2 =	simm.s32 @!p0 $0x1C04  }
0xe5: {  	[timem:s3], [sflag:s2] =	dma.local @!p0 [hbm:s0], s1  }
0xe6: {  	s0 =	simm.s32 @!p0 $0x4  }
0xe7: {  	_ =	swait.ge @!p0 [sflag:s0], s1  }
0xe8: {  	s1 =	ssub.s32 @!p0 $0x0, s1;
	[sflag:s0] =	ssyncset.done @!p0 $0x0  }
0xe9: {  	[sflag:s0] =	ssyncadd.s32 @!p0 s1  }
0xea: {  	[bflag:$0x3] =	sbarrier.arrive $0xFFFF  }
0xeb: {  	_ =	shalt  }

</sc_bundles>
